<compile_context>
chip_gen: v7x
topology: tpu7x:2x2x1
jax: 0.10.2.dev20260603
libtpu: 0.0.44.dev20260713+nightly
codegen_flags: <defaults>
</compile_context>

<pallas_src>
import functools

import jax
import jax.numpy as jnp
from jax import lax
from jax.experimental import pallas as pl
from jax.experimental.pallas import tpu as pltpu
from jax.experimental.pallas import tpu_sc as plsc

N = 100000
D = 128
G = 256
TILE = 14336
N_TILES = 7
N_PAD = N_TILES * TILE

NS = 16
L = 16
CHUNK = 6272
VECS = CHUNK // L
TAIL_BASE = (NS - 1) * CHUNK
TAIL_VALID = N - TAIL_BASE
SKEW = G + 1
ACC = -(-(L * SKEW) // 64) * 64


def _mlp_kernel(x_ref, w1_ref, b1_ref, w2_ref, b2_ref, wp_ref, bp_ref,
                out_ref):
    i = pl.program_id(0)
    x = x_ref[...]
    h = jnp.maximum(jnp.dot(x, w1_ref[...], preferred_element_type=jnp.float32)
                    + b1_ref[...], 0.0)
    h = jnp.maximum(jnp.dot(h, w2_ref[...], preferred_element_type=jnp.float32)
                    + b2_ref[...], 0.0)
    p = lax.dot_general(wp_ref[...], h, (((0,), (1,)), ((), ())),
                        preferred_element_type=jnp.float32) + bp_ref[...]
    col = i * TILE + lax.broadcasted_iota(jnp.int32, (1, TILE), 1)
    p = jnp.where(col < N, p, 0.0)
    out_ref[...] = p.reshape(TILE // 128, 128)


def _node_property(x, W_emb1, b_emb1, W_emb2, b_emb2, W_prop, b_prop):
    out = pl.pallas_call(
        _mlp_kernel,
        grid=(N_TILES,),
        in_specs=[
            pl.BlockSpec((TILE, D), lambda i: (i, 0)),
            pl.BlockSpec((D, D), lambda i: (0, 0)),
            pl.BlockSpec((1, D), lambda i: (0, 0)),
            pl.BlockSpec((D, D), lambda i: (0, 0)),
            pl.BlockSpec((1, D), lambda i: (0, 0)),
            pl.BlockSpec((D, 1), lambda i: (0, 0)),
            pl.BlockSpec((1, 1), lambda i: (0, 0)),
        ],
        out_specs=pl.BlockSpec((TILE // 128, 128), lambda i: (i, 0)),
        out_shape=jax.ShapeDtypeStruct((N_PAD // 128, 128), jnp.float32),
    )(x, W_emb1, b_emb1.reshape(1, D), W_emb2, b_emb2.reshape(1, D),
      W_prop, b_prop.reshape(1, 1))
    return out.reshape(N_PAD)


def _seg_body(p_hbm, batch_hbm, out_hbm, idx_v, p_v, acc_v, tot_v,
              shared, all_v, sem_p, sem_b):
    sid = lax.axis_index("s")
    base = sid * CHUNK
    cp_p = pltpu.async_copy(p_hbm.at[pl.ds(base, CHUNK)], p_v, sem_p)

    fill = jnp.full((L,), G - 1, jnp.int32)

    @pl.when(sid < NS - 1)
    def _full():
        pltpu.async_copy(batch_hbm.at[pl.ds(base, CHUNK)], idx_v, sem_b).wait()

    @pl.when(sid == NS - 1)
    def _tail():
        pltpu.async_copy(batch_hbm.at[pl.ds(TAIL_BASE, TAIL_VALID)],
                         idx_v.at[pl.ds(0, TAIL_VALID)], sem_b).wait()
        for j in range(TAIL_VALID // L, VECS):
            idx_v[pl.ds(j * L, L)] = fill

    zeros = jnp.zeros((L,), jnp.float32)
    lane_base = lax.broadcasted_iota(jnp.int32, (L,), 0) * SKEW

    def _zero(j, _):
        for u in range(4):
            acc_v[pl.ds(pl.multiple_of((j * 4 + u) * L, L), L)] = zeros
        return 0

    lax.fori_loop(0, ACC // (4 * L), _zero, 0)
    cp_p.wait()

    def _scatter(i, _):
        for u in range(4):
            s = pl.multiple_of((i * 4 + u) * L, L)
            idx = idx_v[pl.ds(s, L)]
            vals = p_v[pl.ds(s, L)]
            plsc.addupdate_scatter(acc_v, [lane_base + idx], vals)
        return 0

    lax.fori_loop(0, VECS // 4, _scatter, 0)

    for j in range(G // L):
        v = zeros
        for l in range(L):
            v = v + acc_v[pl.ds(l * SKEW + j * L, L)]
        tot_v[pl.ds(j * L, L)] = v

    pltpu.sync_copy(tot_v, shared.at[sid])
    plsc.subcore_barrier()

    pltpu.sync_copy(shared, all_v)
    v = zeros
    for r in range(NS):
        v = v + all_v[r, pl.ds(sid * L, L)]
    tot_v[pl.ds(0, L)] = v
    pltpu.sync_copy(tot_v.at[pl.ds(0, L)], out_hbm.at[pl.ds(sid * L, L)])


@functools.cache
def _segment_sum():
    mesh = plsc.VectorSubcoreMesh(core_axis_name="c", subcore_axis_name="s",
                                  num_cores=1, num_subcores=NS)
    return pl.kernel(
        _seg_body,
        out_type=jax.ShapeDtypeStruct((G,), jnp.float32),
        mesh=mesh,
        compiler_params=pltpu.CompilerParams(needs_layout_passes=False),
        scratch_types=[
            pltpu.VMEM((CHUNK,), jnp.int32),
            pltpu.VMEM((CHUNK,), jnp.float32),
            pltpu.VMEM((ACC,), jnp.float32),
            pltpu.VMEM((G,), jnp.float32),
            pltpu.VMEM_SHARED((NS, G), jnp.float32),
            pltpu.VMEM((NS, G), jnp.float32),
            pltpu.SemaphoreType.DMA,
            pltpu.SemaphoreType.DMA,
        ],
    )


def kernel(x, batch, W_emb1, b_emb1, W_emb2, b_emb2, W_prop, b_prop):
    p = _node_property(x, W_emb1, b_emb1, W_emb2, b_emb2, W_prop, b_prop)
    return _segment_sum()(p, batch.astype(jnp.int32))

# --- scband reference (transcript-rebuilt; emitter-appended) ---
"""Pipeline reference for scband-gcnconv-88794153877686 (READ-ONLY COPY).

The authoritative reference and input builder live on the scoring server;
editing this copy changes nothing except your own understanding.
"""

import jax, jax.numpy as jnp
import numpy as np

N = 100000
D = 128
NUM_GRAPHS = 256


def setup_inputs(seed: int = 0) -> dict:
    key = jax.random.key(seed)
    ks = jax.random.split(key, 8)
    x = jax.random.normal(ks[0], (N, D), dtype=jnp.float32)
    batch = jnp.sort(jax.random.randint(ks[1], (N,), 0, NUM_GRAPHS))
    # node_embedding_nn params: 2-layer MLP 128->128->128 with ReLU
    W_emb1 = jax.random.normal(ks[2], (D, D), dtype=jnp.float32) / np.sqrt(D)
    b_emb1 = jnp.zeros((D,), dtype=jnp.float32)
    W_emb2 = jax.random.normal(ks[3], (D, D), dtype=jnp.float32) / np.sqrt(D)
    b_emb2 = jnp.zeros((D,), dtype=jnp.float32)
    # node_prop_nn params: Linear 128->1
    W_prop = jax.random.normal(ks[4], (D, 1), dtype=jnp.float32) / np.sqrt(D)
    b_prop = jnp.zeros((1,), dtype=jnp.float32)
    return {"x": x, "batch": batch, "W_emb1": W_emb1, "b_emb1": b_emb1,
            "W_emb2": W_emb2, "b_emb2": b_emb2, "W_prop": W_prop, "b_prop": b_prop}


def reference(x, batch, W_emb1, b_emb1, W_emb2, b_emb2, W_prop, b_prop):
    # node_embedding(x)
    h = jnp.maximum(x @ W_emb1 + b_emb1, 0.0)
    h = jnp.maximum(h @ W_emb2 + b_emb2, 0.0)
    # node_prop(node_features) -> [N, 1]
    node_property = h @ W_prop + b_prop
    # torch_scatter.scatter_sum(node_property, batch, dim=0)
    graph_property = jax.ops.segment_sum(node_property, batch, num_segments=NUM_GRAPHS)
    # .squeeze(1)
    return jnp.squeeze(graph_property, axis=1)

if __name__ == "__main__":
    import jax
    _d = setup_inputs()
    print(jax.jit(kernel)(*tuple(_d.values())))

</pallas_src>

<mosaic_0001>
#map = affine_map<(d0, d1) -> (0)>
module attributes {stable_mosaic.version = 14 : i64} {
  func.func @_seg_body(%arg0: i32, %arg1: i32, %arg2: memref<100352xf32, #tpu.memory_space<hbm>>, %arg3: memref<100000xi32, #tpu.memory_space<hbm>>, %arg4: memref<256xf32, #tpu.memory_space<hbm>>, %arg5: memref<6272xi32, #tpu.memory_space<vmem>>, %arg6: memref<6272xf32, #tpu.memory_space<vmem>>, %arg7: memref<4160xf32, #tpu.memory_space<vmem>>, %arg8: memref<256xf32, #tpu.memory_space<vmem>>, %arg9: memref<16x256xf32, #tpu.memory_space<vmem_shared>>, %arg10: memref<16x256xf32, #tpu.memory_space<vmem>>, %arg11: memref<!tpu.dma_semaphore, #tpu.memory_space<semaphore_mem>>, %arg12: memref<!tpu.dma_semaphore, #tpu.memory_space<semaphore_mem>>) attributes {dimension_semantics = [#tpu.dimension_semantics<core_parallel>, #tpu.dimension_semantics<subcore_parallel>], iteration_bounds = array<i64: 1, 16>, scalar_prefetch = 0 : i64, scratch_operands = 8 : i64, tpu.core_type = #tpu.core_type<sc_vector_subcore>, window_params = [{transform_indices = #map}, {transform_indices = #map}, {transform_indices = #map}]} {
    %mul3A = arith.constant 6272 : i32
    %mul3A_0 = arith.muli %arg1, %mul3A : i32
    %dma_start3A = tpu.memref_slice %arg2[%mul3A_0] : memref<100352xf32, #tpu.memory_space<hbm>> -> memref<6272xf32, #tpu.memory_space<hbm>>
    %dma_start3A_1 = tpu.memref_slice %arg2[%mul3A_0] : memref<100352xf32, #tpu.memory_space<hbm>> -> memref<6272xf32, #tpu.memory_space<hbm>>
    tpu.enqueue_dma source(%dma_start3A_1 : memref<6272xf32, #tpu.memory_space<hbm>>) target(%arg6 : memref<6272xf32, #tpu.memory_space<vmem>>) target_semaphore(%arg11 : memref<!tpu.dma_semaphore, #tpu.memory_space<semaphore_mem>>)
    %broadcast_in_dim3A = arith.constant 255 : i32
    %broadcast_in_dim3A_2 = vector.broadcast %broadcast_in_dim3A : i32 to vector<16xi32>
    %lt3A = arith.constant 15 : i32
    %lt3A_3 = arith.cmpi slt, %arg1, %lt3A : i32
    %convert_element_type3A = arith.extui %lt3A_3 : i1 to i32
    %cond3A = arith.constant 0 : i32
    %cond3A_4 = arith.cmpi ne, %convert_element_type3A, %cond3A : i32
    scf.if %cond3A_4 {
      %dma_start3A_941 = tpu.memref_slice %arg3[%mul3A_0] : memref<100000xi32, #tpu.memory_space<hbm>> -> memref<6272xi32, #tpu.memory_space<hbm>>
      %dma_start3A_942 = tpu.memref_slice %arg3[%mul3A_0] : memref<100000xi32, #tpu.memory_space<hbm>> -> memref<6272xi32, #tpu.memory_space<hbm>>
      tpu.enqueue_dma source(%dma_start3A_942 : memref<6272xi32, #tpu.memory_space<hbm>>) target(%arg5 : memref<6272xi32, #tpu.memory_space<vmem>>) target_semaphore(%arg12 : memref<!tpu.dma_semaphore, #tpu.memory_space<semaphore_mem>>)
      %dma_wait3A_943 = tpu.memref_slice %arg3[%mul3A_0] : memref<100000xi32, #tpu.memory_space<hbm>> -> memref<6272xi32, #tpu.memory_space<hbm>>
      %dma_wait3A_944 = tpu.memref_slice %arg3[%mul3A_0] : memref<100000xi32, #tpu.memory_space<hbm>> -> memref<6272xi32, #tpu.memory_space<hbm>>
      tpu.wait_dma2 semaphore(%arg12 : memref<!tpu.dma_semaphore, #tpu.memory_space<semaphore_mem>>) src(%dma_wait3A_944 : memref<6272xi32, #tpu.memory_space<hbm>>) dst(%arg5 : memref<6272xi32, #tpu.memory_space<vmem>>)
    } else {
    }
    %eq3A = arith.constant 15 : i32
    %eq3A_5 = arith.cmpi eq, %arg1, %eq3A : i32
    %convert_element_type3A_6 = arith.extui %eq3A_5 : i1 to i32
    %cond3A_7 = arith.constant 0 : i32
    %cond3A_8 = arith.cmpi ne, %convert_element_type3A_6, %cond3A_7 : i32
    scf.if %cond3A_8 {
      %dma_start3A_941 = arith.constant 0 : i32
      %dma_start3A_942 = tpu.memref_slice %arg5[%dma_start3A_941] : memref<6272xi32, #tpu.memory_space<vmem>> -> memref<5920xi32, #tpu.memory_space<vmem>>
      %dma_start3A_943 = arith.constant 94080 : i32
      %dma_start3A_944 = tpu.memref_slice %arg3[%dma_start3A_943] : memref<100000xi32, #tpu.memory_space<hbm>> -> memref<5920xi32, #tpu.memory_space<hbm>>
      %dma_start3A_945 = arith.constant 0 : i32
      %dma_start3A_946 = tpu.memref_slice %arg5[%dma_start3A_945] : memref<6272xi32, #tpu.memory_space<vmem>> -> memref<5920xi32, #tpu.memory_space<vmem>>
      %dma_start3A_947 = arith.constant 94080 : i32
      %dma_start3A_948 = tpu.memref_slice %arg3[%dma_start3A_947] : memref<100000xi32, #tpu.memory_space<hbm>> -> memref<5920xi32, #tpu.memory_space<hbm>>
      tpu.enqueue_dma source(%dma_start3A_948 : memref<5920xi32, #tpu.memory_space<hbm>>) target(%dma_start3A_946 : memref<5920xi32, #tpu.memory_space<vmem>>) target_semaphore(%arg12 : memref<!tpu.dma_semaphore, #tpu.memory_space<semaphore_mem>>)
      %dma_wait3A_949 = arith.constant 0 : i32
      %dma_wait3A_950 = tpu.memref_slice %arg5[%dma_wait3A_949] : memref<6272xi32, #tpu.memory_space<vmem>> -> memref<5920xi32, #tpu.memory_space<vmem>>
      %dma_wait3A_951 = arith.constant 94080 : i32
      %dma_wait3A_952 = tpu.memref_slice %arg3[%dma_wait3A_951] : memref<100000xi32, #tpu.memory_space<hbm>> -> memref<5920xi32, #tpu.memory_space<hbm>>
      %dma_wait3A_953 = arith.constant 0 : i32
      %dma_wait3A_954 = tpu.memref_slice %arg5[%dma_wait3A_953] : memref<6272xi32, #tpu.memory_space<vmem>> -> memref<5920xi32, #tpu.memory_space<vmem>>
      %dma_wait3A_955 = arith.constant 94080 : i32
      %dma_wait3A_956 = tpu.memref_slice %arg3[%dma_wait3A_955] : memref<100000xi32, #tpu.memory_space<hbm>> -> memref<5920xi32, #tpu.memory_space<hbm>>
      tpu.wait_dma2 semaphore(%arg12 : memref<!tpu.dma_semaphore, #tpu.memory_space<semaphore_mem>>) src(%dma_wait3A_956 : memref<5920xi32, #tpu.memory_space<hbm>>) dst(%dma_wait3A_954 : memref<5920xi32, #tpu.memory_space<vmem>>)
      %swap3A_957 = arith.constant 5920 : index
      %swap3A_958 = tpu.vector_load %arg5[%swap3A_957] {strides = array<i32>} : memref<6272xi32, #tpu.memory_space<vmem>>, vector<16xi32>,
      tpu.vector_store %arg5[%swap3A_957], %broadcast_in_dim3A_2 {strides = array<i32>} : memref<6272xi32, #tpu.memory_space<vmem>>, vector<16xi32>,
      %swap3A_959 = arith.constant 5936 : index
      %swap3A_960 = tpu.vector_load %arg5[%swap3A_959] {strides = array<i32>} : memref<6272xi32, #tpu.memory_space<vmem>>, vector<16xi32>,
      tpu.vector_store %arg5[%swap3A_959], %broadcast_in_dim3A_2 {strides = array<i32>} : memref<6272xi32, #tpu.memory_space<vmem>>, vector<16xi32>,
      %swap3A_961 = arith.constant 5952 : index
      %swap3A_962 = tpu.vector_load %arg5[%swap3A_961] {strides = array<i32>} : memref<6272xi32, #tpu.memory_space<vmem>>, vector<16xi32>,
      tpu.vector_store %arg5[%swap3A_961], %broadcast_in_dim3A_2 {strides = array<i32>} : memref<6272xi32, #tpu.memory_space<vmem>>, vector<16xi32>,
      %swap3A_963 = arith.constant 5968 : index
      %swap3A_964 = tpu.vector_load %arg5[%swap3A_963] {strides = array<i32>} : memref<6272xi32, #tpu.memory_space<vmem>>, vector<16xi32>,
      tpu.vector_store %arg5[%swap3A_963], %broadcast_in_dim3A_2 {strides = array<i32>} : memref<6272xi32, #tpu.memory_space<vmem>>, vector<16xi32>,
      %swap3A_965 = arith.constant 5984 : index
      %swap3A_966 = tpu.vector_load %arg5[%swap3A_965] {strides = array<i32>} : memref<6272xi32, #tpu.memory_space<vmem>>, vector<16xi32>,
      tpu.vector_store %arg5[%swap3A_965], %broadcast_in_dim3A_2 {strides = array<i32>} : memref<6272xi32, #tpu.memory_space<vmem>>, vector<16xi32>,
      %swap3A_967 = arith.constant 6000 : index
      %swap3A_968 = tpu.vector_load %arg5[%swap3A_967] {strides = array<i32>} : memref<6272xi32, #tpu.memory_space<vmem>>, vector<16xi32>,
      tpu.vector_store %arg5[%swap3A_967], %broadcast_in_dim3A_2 {strides = array<i32>} : memref<6272xi32, #tpu.memory_space<vmem>>, vector<16xi32>,
      %swap3A_969 = arith.constant 6016 : index
      %swap3A_970 = tpu.vector_load %arg5[%swap3A_969] {strides = array<i32>} : memref<6272xi32, #tpu.memory_space<vmem>>, vector<16xi32>,
      tpu.vector_store %arg5[%swap3A_969], %broadcast_in_dim3A_2 {strides = array<i32>} : memref<6272xi32, #tpu.memory_space<vmem>>, vector<16xi32>,
      %swap3A_971 = arith.constant 6032 : index
      %swap3A_972 = tpu.vector_load %arg5[%swap3A_971] {strides = array<i32>} : memref<6272xi32, #tpu.memory_space<vmem>>, vector<16xi32>,
      tpu.vector_store %arg5[%swap3A_971], %broadcast_in_dim3A_2 {strides = array<i32>} : memref<6272xi32, #tpu.memory_space<vmem>>, vector<16xi32>,
      %swap3A_973 = arith.constant 6048 : index
      %swap3A_974 = tpu.vector_load %arg5[%swap3A_973] {strides = array<i32>} : memref<6272xi32, #tpu.memory_space<vmem>>, vector<16xi32>,
      tpu.vector_store %arg5[%swap3A_973], %broadcast_in_dim3A_2 {strides = array<i32>} : memref<6272xi32, #tpu.memory_space<vmem>>, vector<16xi32>,
      %swap3A_975 = arith.constant 6064 : index
      %swap3A_976 = tpu.vector_load %arg5[%swap3A_975] {strides = array<i32>} : memref<6272xi32, #tpu.memory_space<vmem>>, vector<16xi32>,
      tpu.vector_store %arg5[%swap3A_975], %broadcast_in_dim3A_2 {strides = array<i32>} : memref<6272xi32, #tpu.memory_space<vmem>>, vector<16xi32>,
      %swap3A_977 = arith.constant 6080 : index
      %swap3A_978 = tpu.vector_load %arg5[%swap3A_977] {strides = array<i32>} : memref<6272xi32, #tpu.memory_space<vmem>>, vector<16xi32>,
      tpu.vector_store %arg5[%swap3A_977], %broadcast_in_dim3A_2 {strides = array<i32>} : memref<6272xi32, #tpu.memory_space<vmem>>, vector<16xi32>,
      %swap3A_979 = arith.constant 6096 : index
      %swap3A_980 = tpu.vector_load %arg5[%swap3A_979] {strides = array<i32>} : memref<6272xi32, #tpu.memory_space<vmem>>, vector<16xi32>,
      tpu.vector_store %arg5[%swap3A_979], %broadcast_in_dim3A_2 {strides = array<i32>} : memref<6272xi32, #tpu.memory_space<vmem>>, vector<16xi32>,
      %swap3A_981 = arith.constant 6112 : index
      %swap3A_982 = tpu.vector_load %arg5[%swap3A_981] {strides = array<i32>} : memref<6272xi32, #tpu.memory_space<vmem>>, vector<16xi32>,
      tpu.vector_store %arg5[%swap3A_981], %broadcast_in_dim3A_2 {strides = array<i32>} : memref<6272xi32, #tpu.memory_space<vmem>>, vector<16xi32>,
      %swap3A_983 = arith.constant 6128 : index
      %swap3A_984 = tpu.vector_load %arg5[%swap3A_983] {strides = array<i32>} : memref<6272xi32, #tpu.memory_space<vmem>>, vector<16xi32>,
      tpu.vector_store %arg5[%swap3A_983], %broadcast_in_dim3A_2 {strides = array<i32>} : memref<6272xi32, #tpu.memory_space<vmem>>, vector<16xi32>,
      %swap3A_985 = arith.constant 6144 : index
      %swap3A_986 = tpu.vector_load %arg5[%swap3A_985] {strides = array<i32>} : memref<6272xi32, #tpu.memory_space<vmem>>, vector<16xi32>,
      tpu.vector_store %arg5[%swap3A_985], %broadcast_in_dim3A_2 {strides = array<i32>} : memref<6272xi32, #tpu.memory_space<vmem>>, vector<16xi32>,
      %swap3A_987 = arith.constant 6160 : index
      %swap3A_988 = tpu.vector_load %arg5[%swap3A_987] {strides = array<i32>} : memref<6272xi32, #tpu.memory_space<vmem>>, vector<16xi32>,
      tpu.vector_store %arg5[%swap3A_987], %broadcast_in_dim3A_2 {strides = array<i32>} : memref<6272xi32, #tpu.memory_space<vmem>>, vector<16xi32>,
      %swap3A_989 = arith.constant 6176 : index
      %swap3A_990 = tpu.vector_load %arg5[%swap3A_989] {strides = array<i32>} : memref<6272xi32, #tpu.memory_space<vmem>>, vector<16xi32>,
      tpu.vector_store %arg5[%swap3A_989], %broadcast_in_dim3A_2 {strides = array<i32>} : memref<6272xi32, #tpu.memory_space<vmem>>, vector<16xi32>,
      %swap3A_991 = arith.constant 6192 : index
      %swap3A_992 = tpu.vector_load %arg5[%swap3A_991] {strides = array<i32>} : memref<6272xi32, #tpu.memory_space<vmem>>, vector<16xi32>,
      tpu.vector_store %arg5[%swap3A_991], %broadcast_in_dim3A_2 {strides = array<i32>} : memref<6272xi32, #tpu.memory_space<vmem>>, vector<16xi32>,
      %swap3A_993 = arith.constant 6208 : index
      %swap3A_994 = tpu.vector_load %arg5[%swap3A_993] {strides = array<i32>} : memref<6272xi32, #tpu.memory_space<vmem>>, vector<16xi32>,
      tpu.vector_store %arg5[%swap3A_993], %broadcast_in_dim3A_2 {strides = array<i32>} : memref<6272xi32, #tpu.memory_space<vmem>>, vector<16xi32>,
      %swap3A_995 = arith.constant 6224 : index
      %swap3A_996 = tpu.vector_load %arg5[%swap3A_995] {strides = array<i32>} : memref<6272xi32, #tpu.memory_space<vmem>>, vector<16xi32>,
      tpu.vector_store %arg5[%swap3A_995], %broadcast_in_dim3A_2 {strides = array<i32>} : memref<6272xi32, #tpu.memory_space<vmem>>, vector<16xi32>,
      %swap3A_997 = arith.constant 6240 : index
      %swap3A_998 = tpu.vector_load %arg5[%swap3A_997] {strides = array<i32>} : memref<6272xi32, #tpu.memory_space<vmem>>, vector<16xi32>,
      tpu.vector_store %arg5[%swap3A_997], %broadcast_in_dim3A_2 {strides = array<i32>} : memref<6272xi32, #tpu.memory_space<vmem>>, vector<16xi32>,
      %swap3A_999 = arith.constant 6256 : index
      %swap3A_1000 = tpu.vector_load %arg5[%swap3A_999] {strides = array<i32>} : memref<6272xi32, #tpu.memory_space<vmem>>, vector<16xi32>,
      tpu.vector_store %arg5[%swap3A_999], %broadcast_in_dim3A_2 {strides = array<i32>} : memref<6272xi32, #tpu.memory_space<vmem>>, vector<16xi32>,
    } else {
    }
    %broadcast_in_dim3A_9 = arith.constant 0.000000e+00 : f32
    %broadcast_in_dim3A_10 = vector.broadcast %broadcast_in_dim3A_9 : f32 to vector<16xf32>
    %iota3A = tpu.iota {dimensions = array<i32: 0>} : vector<16xi32>
    %mul3A_11 = arith.constant 257 : i32
    %mul3A_12 = vector.broadcast %mul3A_11 : i32 to vector<16xi32>
    %mul3A_13 = arith.muli %iota3A, %mul3A_12 : vector<16xi32>
    %scan3A = arith.constant 0 : i32
    %scan3A_14 = arith.constant 0 : i32
    %scan3A_15 = arith.constant 65 : i32
    %scan3A_16 = arith.addi %scan3A_14, %scan3A_15 : i32
    %scan3A_17 = arith.constant 1 : i32
    %scan3A_18 = scf.for %scan3A_941 = %scan3A_14 to %scan3A_16 step %scan3A_17 iter_args(%scan3A_942 = %scan3A) -> (i32)  : i32 {
      %mul3A_943 = arith.constant 4 : i32
      %mul3A_944 = arith.muli %scan3A_941, %mul3A_943 : i32
      %add3A_945 = arith.constant 0 : i32
      %add3A_946 = arith.addi %mul3A_944, %add3A_945 : i32
      %mul3A_947 = arith.constant 16 : i32
      %mul3A_948 = arith.muli %add3A_946, %mul3A_947 : i32
      %multiple_of3A = tpu.assume_multiple %mul3A_948, 16 : i32
      %swap3A_949 = arith.index_cast %multiple_of3A : i32 to index
      %swap3A_950 = tpu.vector_load %arg7[%swap3A_949] {strides = array<i32>} : memref<4160xf32, #tpu.memory_space<vmem>>, vector<16xf32>,
      tpu.vector_store %arg7[%swap3A_949], %broadcast_in_dim3A_10 {strides = array<i32>} : memref<4160xf32, #tpu.memory_space<vmem>>, vector<16xf32>,
      %mul3A_951 = arith.constant 4 : i32
      %mul3A_952 = arith.muli %scan3A_941, %mul3A_951 : i32
      %add3A_953 = arith.constant 1 : i32
      %add3A_954 = arith.addi %mul3A_952, %add3A_953 : i32
      %mul3A_955 = arith.constant 16 : i32
      %mul3A_956 = arith.muli %add3A_954, %mul3A_955 : i32
      %multiple_of3A_957 = tpu.assume_multiple %mul3A_956, 16 : i32
      %swap3A_958 = arith.index_cast %multiple_of3A_957 : i32 to index
      %swap3A_959 = tpu.vector_load %arg7[%swap3A_958] {strides = array<i32>} : memref<4160xf32, #tpu.memory_space<vmem>>, vector<16xf32>,
      tpu.vector_store %arg7[%swap3A_958], %broadcast_in_dim3A_10 {strides = array<i32>} : memref<4160xf32, #tpu.memory_space<vmem>>, vector<16xf32>,
      %mul3A_960 = arith.constant 4 : i32
      %mul3A_961 = arith.muli %scan3A_941, %mul3A_960 : i32
      %add3A_962 = arith.constant 2 : i32
      %add3A_963 = arith.addi %mul3A_961, %add3A_962 : i32
      %mul3A_964 = arith.constant 16 : i32
      %mul3A_965 = arith.muli %add3A_963, %mul3A_964 : i32
      %multiple_of3A_966 = tpu.assume_multiple %mul3A_965, 16 : i32
      %swap3A_967 = arith.index_cast %multiple_of3A_966 : i32 to index
      %swap3A_968 = tpu.vector_load %arg7[%swap3A_967] {strides = array<i32>} : memref<4160xf32, #tpu.memory_space<vmem>>, vector<16xf32>,
      tpu.vector_store %arg7[%swap3A_967], %broadcast_in_dim3A_10 {strides = array<i32>} : memref<4160xf32, #tpu.memory_space<vmem>>, vector<16xf32>,
      %mul3A_969 = arith.constant 4 : i32
      %mul3A_970 = arith.muli %scan3A_941, %mul3A_969 : i32
      %add3A_971 = arith.constant 3 : i32
      %add3A_972 = arith.addi %mul3A_970, %add3A_971 : i32
      %mul3A_973 = arith.constant 16 : i32
      %mul3A_974 = arith.muli %add3A_972, %mul3A_973 : i32
      %multiple_of3A_975 = tpu.assume_multiple %mul3A_974, 16 : i32
      %swap3A_976 = arith.index_cast %multiple_of3A_975 : i32 to index
      %swap3A_977 = tpu.vector_load %arg7[%swap3A_976] {strides = array<i32>} : memref<4160xf32, #tpu.memory_space<vmem>>, vector<16xf32>,
      tpu.vector_store %arg7[%swap3A_976], %broadcast_in_dim3A_10 {strides = array<i32>} : memref<4160xf32, #tpu.memory_space<vmem>>, vector<16xf32>,
      %scan3A_978 = arith.constant 0 : i32
      scf.yield %scan3A_978 : i32
    }
    %scan3A_19 = arith.constant 65 : i32
    %dma_wait3A = tpu.memref_slice %arg2[%mul3A_0] : memref<100352xf32, #tpu.memory_space<hbm>> -> memref<6272xf32, #tpu.memory_space<hbm>>
    %dma_wait3A_20 = tpu.memref_slice %arg2[%mul3A_0] : memref<100352xf32, #tpu.memory_space<hbm>> -> memref<6272xf32, #tpu.memory_space<hbm>>
    tpu.wait_dma2 semaphore(%arg11 : memref<!tpu.dma_semaphore, #tpu.memory_space<semaphore_mem>>) src(%dma_wait3A_20 : memref<6272xf32, #tpu.memory_space<hbm>>) dst(%arg6 : memref<6272xf32, #tpu.memory_space<vmem>>)
    %scan3A_21 = arith.constant 0 : i32
    %scan3A_22 = arith.constant 0 : i32
    %scan3A_23 = arith.constant 98 : i32
    %scan3A_24 = arith.addi %scan3A_22, %scan3A_23 : i32
    %scan3A_25 = arith.constant 1 : i32
    %scan3A_26 = scf.for %scan3A_941 = %scan3A_22 to %scan3A_24 step %scan3A_25 iter_args(%scan3A_942 = %scan3A_21) -> (i32)  : i32 {
      %mul3A_943 = arith.constant 4 : i32
      %mul3A_944 = arith.muli %scan3A_941, %mul3A_943 : i32
      %add3A_945 = arith.constant 0 : i32
      %add3A_946 = arith.addi %mul3A_944, %add3A_945 : i32
      %mul3A_947 = arith.constant 16 : i32
      %mul3A_948 = arith.muli %add3A_946, %mul3A_947 : i32
      %multiple_of3A = tpu.assume_multiple %mul3A_948, 16 : i32
      %get3A_949 = arith.index_cast %multiple_of3A : i32 to index
      %get3A_950 = tpu.vector_load %arg5[%get3A_949] {strides = array<i32>} : memref<6272xi32, #tpu.memory_space<vmem>>, vector<16xi32>,
      %get3A_951 = arith.index_cast %multiple_of3A : i32 to index
      %get3A_952 = tpu.vector_load %arg6[%get3A_951] {strides = array<i32>} : memref<6272xf32, #tpu.memory_space<vmem>>, vector<16xf32>,
      %add3A_953 = arith.addi %mul3A_13, %get3A_950 : vector<16xi32>
      tpu.vector_store_idx %arg7[%add3A_953], %get3A_952 {add = true} : memref<4160xf32, #tpu.memory_space<vmem>>[vector<16xi32>], vector<16xf32>,
      %mul3A_954 = arith.constant 4 : i32
      %mul3A_955 = arith.muli %scan3A_941, %mul3A_954 : i32
      %add3A_956 = arith.constant 1 : i32
      %add3A_957 = arith.addi %mul3A_955, %add3A_956 : i32
      %mul3A_958 = arith.constant 16 : i32
      %mul3A_959 = arith.muli %add3A_957, %mul3A_958 : i32
      %multiple_of3A_960 = tpu.assume_multiple %mul3A_959, 16 : i32
      %get3A_961 = arith.index_cast %multiple_of3A_960 : i32 to index
      %get3A_962 = tpu.vector_load %arg5[%get3A_961] {strides = array<i32>} : memref<6272xi32, #tpu.memory_space<vmem>>, vector<16xi32>,
      %get3A_963 = arith.index_cast %multiple_of3A_960 : i32 to index
      %get3A_964 = tpu.vector_load %arg6[%get3A_963] {strides = array<i32>} : memref<6272xf32, #tpu.memory_space<vmem>>, vector<16xf32>,
      %add3A_965 = arith.addi %mul3A_13, %get3A_962 : vector<16xi32>
      tpu.vector_store_idx %arg7[%add3A_965], %get3A_964 {add = true} : memref<4160xf32, #tpu.memory_space<vmem>>[vector<16xi32>], vector<16xf32>,
      %mul3A_966 = arith.constant 4 : i32
      %mul3A_967 = arith.muli %scan3A_941, %mul3A_966 : i32
      %add3A_968 = arith.constant 2 : i32
      %add3A_969 = arith.addi %mul3A_967, %add3A_968 : i32
      %mul3A_970 = arith.constant 16 : i32
      %mul3A_971 = arith.muli %add3A_969, %mul3A_970 : i32
      %multiple_of3A_972 = tpu.assume_multiple %mul3A_971, 16 : i32
      %get3A_973 = arith.index_cast %multiple_of3A_972 : i32 to index
      %get3A_974 = tpu.vector_load %arg5[%get3A_973] {strides = array<i32>} : memref<6272xi32, #tpu.memory_space<vmem>>, vector<16xi32>,
      %get3A_975 = arith.index_cast %multiple_of3A_972 : i32 to index
      %get3A_976 = tpu.vector_load %arg6[%get3A_975] {strides = array<i32>} : memref<6272xf32, #tpu.memory_space<vmem>>, vector<16xf32>,
      %add3A_977 = arith.addi %mul3A_13, %get3A_974 : vector<16xi32>
      tpu.vector_store_idx %arg7[%add3A_977], %get3A_976 {add = true} : memref<4160xf32, #tpu.memory_space<vmem>>[vector<16xi32>], vector<16xf32>,
      %mul3A_978 = arith.constant 4 : i32
      %mul3A_979 = arith.muli %scan3A_941, %mul3A_978 : i32
      %add3A_980 = arith.constant 3 : i32
      %add3A_981 = arith.addi %mul3A_979, %add3A_980 : i32
      %mul3A_982 = arith.constant 16 : i32
      %mul3A_983 = arith.muli %add3A_981, %mul3A_982 : i32
      %multiple_of3A_984 = tpu.assume_multiple %mul3A_983, 16 : i32
      %get3A_985 = arith.index_cast %multiple_of3A_984 : i32 to index
      %get3A_986 = tpu.vector_load %arg5[%get3A_985] {strides = array<i32>} : memref<6272xi32, #tpu.memory_space<vmem>>, vector<16xi32>,
      %get3A_987 = arith.index_cast %multiple_of3A_984 : i32 to index
      %get3A_988 = tpu.vector_load %arg6[%get3A_987] {strides = array<i32>} : memref<6272xf32, #tpu.memory_space<vmem>>, vector<16xf32>,
      %add3A_989 = arith.addi %mul3A_13, %get3A_986 : vector<16xi32>
      tpu.vector_store_idx %arg7[%add3A_989], %get3A_988 {add = true} : memref<4160xf32, #tpu.memory_space<vmem>>[vector<16xi32>], vector<16xf32>,
      %scan3A_990 = arith.constant 0 : i32
      scf.yield %scan3A_990 : i32
    }
    %scan3A_27 = arith.constant 98 : i32
    %get3A = arith.constant 0 : index
    %get3A_28 = tpu.vector_load %arg7[%get3A] {strides = array<i32>} : memref<4160xf32, #tpu.memory_space<vmem>>, vector<16xf32>,
    %add3A = arith.addf %broadcast_in_dim3A_10, %get3A_28 : vector<16xf32>
    %get3A_29 = arith.constant 257 : index
    %get3A_30 = tpu.vector_load %arg7[%get3A_29] {strides = array<i32>} : memref<4160xf32, #tpu.memory_space<vmem>>, vector<16xf32>,
    %add3A_31 = arith.addf %add3A, %get3A_30 : vector<16xf32>
    %get3A_32 = arith.constant 514 : index
    %get3A_33 = tpu.vector_load %arg7[%get3A_32] {strides = array<i32>} : memref<4160xf32, #tpu.memory_space<vmem>>, vector<16xf32>,
    %add3A_34 = arith.addf %add3A_31, %get3A_33 : vector<16xf32>
    %get3A_35 = arith.constant 771 : index
    %get3A_36 = tpu.vector_load %arg7[%get3A_35] {strides = array<i32>} : memref<4160xf32, #tpu.memory_space<vmem>>, vector<16xf32>,
    %add3A_37 = arith.addf %add3A_34, %get3A_36 : vector<16xf32>
    %get3A_38 = arith.constant 1028 : index
    %get3A_39 = tpu.vector_load %arg7[%get3A_38] {strides = array<i32>} : memref<4160xf32, #tpu.memory_space<vmem>>, vector<16xf32>,
    %add3A_40 = arith.addf %add3A_37, %get3A_39 : vector<16xf32>
    %get3A_41 = arith.constant 1285 : index
    %get3A_42 = tpu.vector_load %arg7[%get3A_41] {strides = array<i32>} : memref<4160xf32, #tpu.memory_space<vmem>>, vector<16xf32>,
    %add3A_43 = arith.addf %add3A_40, %get3A_42 : vector<16xf32>
    %get3A_44 = arith.constant 1542 : index
    %get3A_45 = tpu.vector_load %arg7[%get3A_44] {strides = array<i32>} : memref<4160xf32, #tpu.memory_space<vmem>>, vector<16xf32>,
    %add3A_46 = arith.addf %add3A_43, %get3A_45 : vector<16xf32>
    %get3A_47 = arith.constant 1799 : index
    %get3A_48 = tpu.vector_load %arg7[%get3A_47] {strides = array<i32>} : memref<4160xf32, #tpu.memory_space<vmem>>, vector<16xf32>,
    %add3A_49 = arith.addf %add3A_46, %get3A_48 : vector<16xf32>
    %get3A_50 = arith.constant 2056 : index
    %get3A_51 = tpu.vector_load %arg7[%get3A_50] {strides = array<i32>} : memref<4160xf32, #tpu.memory_space<vmem>>, vector<16xf32>,
    %add3A_52 = arith.addf %add3A_49, %get3A_51 : vector<16xf32>
    %get3A_53 = arith.constant 2313 : index
    %get3A_54 = tpu.vector_load %arg7[%get3A_53] {strides = array<i32>} : memref<4160xf32, #tpu.memory_space<vmem>>, vector<16xf32>,
    %add3A_55 = arith.addf %add3A_52, %get3A_54 : vector<16xf32>
    %get3A_56 = arith.constant 2570 : index
    %get3A_57 = tpu.vector_load %arg7[%get3A_56] {strides = array<i32>} : memref<4160xf32, #tpu.memory_space<vmem>>, vector<16xf32>,
    %add3A_58 = arith.addf %add3A_55, %get3A_57 : vector<16xf32>
    %get3A_59 = arith.constant 2827 : index
    %get3A_60 = tpu.vector_load %arg7[%get3A_59] {strides = array<i32>} : memref<4160xf32, #tpu.memory_space<vmem>>, vector<16xf32>,
    %add3A_61 = arith.addf %add3A_58, %get3A_60 : vector<16xf32>
    %get3A_62 = arith.constant 3084 : index
    %get3A_63 = tpu.vector_load %arg7[%get3A_62] {strides = array<i32>} : memref<4160xf32, #tpu.memory_space<vmem>>, vector<16xf32>,
    %add3A_64 = arith.addf %add3A_61, %get3A_63 : vector<16xf32>
    %get3A_65 = arith.constant 3341 : index
    %get3A_66 = tpu.vector_load %arg7[%get3A_65] {strides = array<i32>} : memref<4160xf32, #tpu.memory_space<vmem>>, vector<16xf32>,
    %add3A_67 = arith.addf %add3A_64, %get3A_66 : vector<16xf32>
    %get3A_68 = arith.constant 3598 : index
    %get3A_69 = tpu.vector_load %arg7[%get3A_68] {strides = array<i32>} : memref<4160xf32, #tpu.memory_space<vmem>>, vector<16xf32>,
    %add3A_70 = arith.addf %add3A_67, %get3A_69 : vector<16xf32>
    %get3A_71 = arith.constant 3855 : index
    %get3A_72 = tpu.vector_load %arg7[%get3A_71] {strides = array<i32>} : memref<4160xf32, #tpu.memory_space<vmem>>, vector<16xf32>,
    %add3A_73 = arith.addf %add3A_70, %get3A_72 : vector<16xf32>
    %swap3A = arith.constant 0 : index
    %swap3A_74 = tpu.vector_load %arg8[%swap3A] {strides = array<i32>} : memref<256xf32, #tpu.memory_space<vmem>>, vector<16xf32>,
    tpu.vector_store %arg8[%swap3A], %add3A_73 {strides = array<i32>} : memref<256xf32, #tpu.memory_space<vmem>>, vector<16xf32>,
    %get3A_75 = arith.constant 16 : index
    %get3A_76 = tpu.vector_load %arg7[%get3A_75] {strides = array<i32>} : memref<4160xf32, #tpu.memory_space<vmem>>, vector<16xf32>,
    %add3A_77 = arith.addf %broadcast_in_dim3A_10, %get3A_76 : vector<16xf32>
    %get3A_78 = arith.constant 273 : index
    %get3A_79 = tpu.vector_load %arg7[%get3A_78] {strides = array<i32>} : memref<4160xf32, #tpu.memory_space<vmem>>, vector<16xf32>,
    %add3A_80 = arith.addf %add3A_77, %get3A_79 : vector<16xf32>
    %get3A_81 = arith.constant 530 : index
    %get3A_82 = tpu.vector_load %arg7[%get3A_81] {strides = array<i32>} : memref<4160xf32, #tpu.memory_space<vmem>>, vector<16xf32>,
    %add3A_83 = arith.addf %add3A_80, %get3A_82 : vector<16xf32>
    %get3A_84 = arith.constant 787 : index
    %get3A_85 = tpu.vector_load %arg7[%get3A_84] {strides = array<i32>} : memref<4160xf32, #tpu.memory_space<vmem>>, vector<16xf32>,
    %add3A_86 = arith.addf %add3A_83, %get3A_85 : vector<16xf32>
    %get3A_87 = arith.constant 1044 : index
    %get3A_88 = tpu.vector_load %arg7[%get3A_87] {strides = array<i32>} : memref<4160xf32, #tpu.memory_space<vmem>>, vector<16xf32>,
    %add3A_89 = arith.addf %add3A_86, %get3A_88 : vector<16xf32>
    %get3A_90 = arith.constant 1301 : index
    %get3A_91 = tpu.vector_load %arg7[%get3A_90] {strides = array<i32>} : memref<4160xf32, #tpu.memory_space<vmem>>, vector<16xf32>,
    %add3A_92 = arith.addf %add3A_89, %get3A_91 : vector<16xf32>
    %get3A_93 = arith.constant 1558 : index
    %get3A_94 = tpu.vector_load %arg7[%get3A_93] {strides = array<i32>} : memref<4160xf32, #tpu.memory_space<vmem>>, vector<16xf32>,
    %add3A_95 = arith.addf %add3A_92, %get3A_94 : vector<16xf32>
    %get3A_96 = arith.constant 1815 : index
    %get3A_97 = tpu.vector_load %arg7[%get3A_96] {strides = array<i32>} : memref<4160xf32, #tpu.memory_space<vmem>>, vector<16xf32>,
    %add3A_98 = arith.addf %add3A_95, %get3A_97 : vector<16xf32>
    %get3A_99 = arith.constant 2072 : index
    %get3A_100 = tpu.vector_load %arg7[%get3A_99] {strides = array<i32>} : memref<4160xf32, #tpu.memory_space<vmem>>, vector<16xf32>,
    %add3A_101 = arith.addf %add3A_98, %get3A_100 : vector<16xf32>
    %get3A_102 = arith.constant 2329 : index
    %get3A_103 = tpu.vector_load %arg7[%get3A_102] {strides = array<i32>} : memref<4160xf32, #tpu.memory_space<vmem>>, vector<16xf32>,
    %add3A_104 = arith.addf %add3A_101, %get3A_103 : vector<16xf32>
    %get3A_105 = arith.constant 2586 : index
    %get3A_106 = tpu.vector_load %arg7[%get3A_105] {strides = array<i32>} : memref<4160xf32, #tpu.memory_space<vmem>>, vector<16xf32>,
    %add3A_107 = arith.addf %add3A_104, %get3A_106 : vector<16xf32>
    %get3A_108 = arith.constant 2843 : index
    %get3A_109 = tpu.vector_load %arg7[%get3A_108] {strides = array<i32>} : memref<4160xf32, #tpu.memory_space<vmem>>, vector<16xf32>,
    %add3A_110 = arith.addf %add3A_107, %get3A_109 : vector<16xf32>
    %get3A_111 = arith.constant 3100 : index
    %get3A_112 = tpu.vector_load %arg7[%get3A_111] {strides = array<i32>} : memref<4160xf32, #tpu.memory_space<vmem>>, vector<16xf32>,
    %add3A_113 = arith.addf %add3A_110, %get3A_112 : vector<16xf32>
    %get3A_114 = arith.constant 3357 : index
    %get3A_115 = tpu.vector_load %arg7[%get3A_114] {strides = array<i32>} : memref<4160xf32, #tpu.memory_space<vmem>>, vector<16xf32>,
    %add3A_116 = arith.addf %add3A_113, %get3A_115 : vector<16xf32>
    %get3A_117 = arith.constant 3614 : index
    %get3A_118 = tpu.vector_load %arg7[%get3A_117] {strides = array<i32>} : memref<4160xf32, #tpu.memory_space<vmem>>, vector<16xf32>,
    %add3A_119 = arith.addf %add3A_116, %get3A_118 : vector<16xf32>
    %get3A_120 = arith.constant 3871 : index
    %get3A_121 = tpu.vector_load %arg7[%get3A_120] {strides = array<i32>} : memref<4160xf32, #tpu.memory_space<vmem>>, vector<16xf32>,
    %add3A_122 = arith.addf %add3A_119, %get3A_121 : vector<16xf32>
    %swap3A_123 = arith.constant 16 : index
    %swap3A_124 = tpu.vector_load %arg8[%swap3A_123] {strides = array<i32>} : memref<256xf32, #tpu.memory_space<vmem>>, vector<16xf32>,
    tpu.vector_store %arg8[%swap3A_123], %add3A_122 {strides = array<i32>} : memref<256xf32, #tpu.memory_space<vmem>>, vector<16xf32>,
    %get3A_125 = arith.constant 32 : index
    %get3A_126 = tpu.vector_load %arg7[%get3A_125] {strides = array<i32>} : memref<4160xf32, #tpu.memory_space<vmem>>, vector<16xf32>,
    %add3A_127 = arith.addf %broadcast_in_dim3A_10, %get3A_126 : vector<16xf32>
    %get3A_128 = arith.constant 289 : index
    %get3A_129 = tpu.vector_load %arg7[%get3A_128] {strides = array<i32>} : memref<4160xf32, #tpu.memory_space<vmem>>, vector<16xf32>,
    %add3A_130 = arith.addf %add3A_127, %get3A_129 : vector<16xf32>
    %get3A_131 = arith.constant 546 : index
    %get3A_132 = tpu.vector_load %arg7[%get3A_131] {strides = array<i32>} : memref<4160xf32, #tpu.memory_space<vmem>>, vector<16xf32>,
    %add3A_133 = arith.addf %add3A_130, %get3A_132 : vector<16xf32>
    %get3A_134 = arith.constant 803 : index
    %get3A_135 = tpu.vector_load %arg7[%get3A_134] {strides = array<i32>} : memref<4160xf32, #tpu.memory_space<vmem>>, vector<16xf32>,
    %add3A_136 = arith.addf %add3A_133, %get3A_135 : vector<16xf32>
    %get3A_137 = arith.constant 1060 : index
    %get3A_138 = tpu.vector_load %arg7[%get3A_137] {strides = array<i32>} : memref<4160xf32, #tpu.memory_space<vmem>>, vector<16xf32>,
    %add3A_139 = arith.addf %add3A_136, %get3A_138 : vector<16xf32>
    %get3A_140 = arith.constant 1317 : index
    %get3A_141 = tpu.vector_load %arg7[%get3A_140] {strides = array<i32>} : memref<4160xf32, #tpu.memory_space<vmem>>, vector<16xf32>,
    %add3A_142 = arith.addf %add3A_139, %get3A_141 : vector<16xf32>
    %get3A_143 = arith.constant 1574 : index
    %get3A_144 = tpu.vector_load %arg7[%get3A_143] {strides = array<i32>} : memref<4160xf32, #tpu.memory_space<vmem>>, vector<16xf32>,
    %add3A_145 = arith.addf %add3A_142, %get3A_144 : vector<16xf32>
    %get3A_146 = arith.constant 1831 : index
    %get3A_147 = tpu.vector_load %arg7[%get3A_146] {strides = array<i32>} : memref<4160xf32, #tpu.memory_space<vmem>>, vector<16xf32>,
    %add3A_148 = arith.addf %add3A_145, %get3A_147 : vector<16xf32>
    %get3A_149 = arith.constant 2088 : index
    %get3A_150 = tpu.vector_load %arg7[%get3A_149] {strides = array<i32>} : memref<4160xf32, #tpu.memory_space<vmem>>, vector<16xf32>,
    %add3A_151 = arith.addf %add3A_148, %get3A_150 : vector<16xf32>
    %get3A_152 = arith.constant 2345 : index
    %get3A_153 = tpu.vector_load %arg7[%get3A_152] {strides = array<i32>} : memref<4160xf32, #tpu.memory_space<vmem>>, vector<16xf32>,
    %add3A_154 = arith.addf %add3A_151, %get3A_153 : vector<16xf32>
    %get3A_155 = arith.constant 2602 : index
    %get3A_156 = tpu.vector_load %arg7[%get3A_155] {strides = array<i32>} : memref<4160xf32, #tpu.memory_space<vmem>>, vector<16xf32>,
    %add3A_157 = arith.addf %add3A_154, %get3A_156 : vector<16xf32>
    %get3A_158 = arith.constant 2859 : index
    %get3A_159 = tpu.vector_load %arg7[%get3A_158] {strides = array<i32>} : memref<4160xf32, #tpu.memory_space<vmem>>, vector<16xf32>,
    %add3A_160 = arith.addf %add3A_157, %get3A_159 : vector<16xf32>
    %get3A_161 = arith.constant 3116 : index
    %get3A_162 = tpu.vector_load %arg7[%get3A_161] {strides = array<i32>} : memref<4160xf32, #tpu.memory_space<vmem>>, vector<16xf32>,
    %add3A_163 = arith.addf %add3A_160, %get3A_162 : vector<16xf32>
    %get3A_164 = arith.constant 3373 : index
    %get3A_165 = tpu.vector_load %arg7[%get3A_164] {strides = array<i32>} : memref<4160xf32, #tpu.memory_space<vmem>>, vector<16xf32>,
    %add3A_166 = arith.addf %add3A_163, %get3A_165 : vector<16xf32>
    %get3A_167 = arith.constant 3630 : index
    %get3A_168 = tpu.vector_load %arg7[%get3A_167] {strides = array<i32>} : memref<4160xf32, #tpu.memory_space<vmem>>, vector<16xf32>,
    %add3A_169 = arith.addf %add3A_166, %get3A_168 : vector<16xf32>
    %get3A_170 = arith.constant 3887 : index
    %get3A_171 = tpu.vector_load %arg7[%get3A_170] {strides = array<i32>} : memref<4160xf32, #tpu.memory_space<vmem>>, vector<16xf32>,
    %add3A_172 = arith.addf %add3A_169, %get3A_171 : vector<16xf32>
    %swap3A_173 = arith.constant 32 : index
    %swap3A_174 = tpu.vector_load %arg8[%swap3A_173] {strides = array<i32>} : memref<256xf32, #tpu.memory_space<vmem>>, vector<16xf32>,
    tpu.vector_store %arg8[%swap3A_173], %add3A_172 {strides = array<i32>} : memref<256xf32, #tpu.memory_space<vmem>>, vector<16xf32>,
    %get3A_175 = arith.constant 48 : index
    %get3A_176 = tpu.vector_load %arg7[%get3A_175] {strides = array<i32>} : memref<4160xf32, #tpu.memory_space<vmem>>, vector<16xf32>,
    %add3A_177 = arith.addf %broadcast_in_dim3A_10, %get3A_176 : vector<16xf32>
    %get3A_178 = arith.constant 305 : index
    %get3A_179 = tpu.vector_load %arg7[%get3A_178] {strides = array<i32>} : memref<4160xf32, #tpu.memory_space<vmem>>, vector<16xf32>,
    %add3A_180 = arith.addf %add3A_177, %get3A_179 : vector<16xf32>
    %get3A_181 = arith.constant 562 : index
    %get3A_182 = tpu.vector_load %arg7[%get3A_181] {strides = array<i32>} : memref<4160xf32, #tpu.memory_space<vmem>>, vector<16xf32>,
    %add3A_183 = arith.addf %add3A_180, %get3A_182 : vector<16xf32>
    %get3A_184 = arith.constant 819 : index
    %get3A_185 = tpu.vector_load %arg7[%get3A_184] {strides = array<i32>} : memref<4160xf32, #tpu.memory_space<vmem>>, vector<16xf32>,
    %add3A_186 = arith.addf %add3A_183, %get3A_185 : vector<16xf32>
    %get3A_187 = arith.constant 1076 : index
    %get3A_188 = tpu.vector_load %arg7[%get3A_187] {strides = array<i32>} : memref<4160xf32, #tpu.memory_space<vmem>>, vector<16xf32>,
    %add3A_189 = arith.addf %add3A_186, %get3A_188 : vector<16xf32>
    %get3A_190 = arith.constant 1333 : index
    %get3A_191 = tpu.vector_load %arg7[%get3A_190] {strides = array<i32>} : memref<4160xf32, #tpu.memory_space<vmem>>, vector<16xf32>,
    %add3A_192 = arith.addf %add3A_189, %get3A_191 : vector<16xf32>
    %get3A_193 = arith.constant 1590 : index
    %get3A_194 = tpu.vector_load %arg7[%get3A_193] {strides = array<i32>} : memref<4160xf32, #tpu.memory_space<vmem>>, vector<16xf32>,
    %add3A_195 = arith.addf %add3A_192, %get3A_194 : vector<16xf32>
    %get3A_196 = arith.constant 1847 : index
    %get3A_197 = tpu.vector_load %arg7[%get3A_196] {strides = array<i32>} : memref<4160xf32, #tpu.memory_space<vmem>>, vector<16xf32>,
    %add3A_198 = arith.addf %add3A_195, %get3A_197 : vector<16xf32>
    %get3A_199 = arith.constant 2104 : index
    %get3A_200 = tpu.vector_load %arg7[%get3A_199] {strides = array<i32>} : memref<4160xf32, #tpu.memory_space<vmem>>, vector<16xf32>,
    %add3A_201 = arith.addf %add3A_198, %get3A_200 : vector<16xf32>
    %get3A_202 = arith.constant 2361 : index
    %get3A_203 = tpu.vector_load %arg7[%get3A_202] {strides = array<i32>} : memref<4160xf32, #tpu.memory_space<vmem>>, vector<16xf32>,
    %add3A_204 = arith.addf %add3A_201, %get3A_203 : vector<16xf32>
    %get3A_205 = arith.constant 2618 : index
    %get3A_206 = tpu.vector_load %arg7[%get3A_205] {strides = array<i32>} : memref<4160xf32, #tpu.memory_space<vmem>>, vector<16xf32>,
    %add3A_207 = arith.addf %add3A_204, %get3A_206 : vector<16xf32>
    %get3A_208 = arith.constant 2875 : index
    %get3A_209 = tpu.vector_load %arg7[%get3A_208] {strides = array<i32>} : memref<4160xf32, #tpu.memory_space<vmem>>, vector<16xf32>,
    %add3A_210 = arith.addf %add3A_207, %get3A_209 : vector<16xf32>
    %get3A_211 = arith.constant 3132 : index
    %get3A_212 = tpu.vector_load %arg7[%get3A_211] {strides = array<i32>} : memref<4160xf32, #tpu.memory_space<vmem>>, vector<16xf32>,
    %add3A_213 = arith.addf %add3A_210, %get3A_212 : vector<16xf32>
    %get3A_214 = arith.constant 3389 : index
    %get3A_215 = tpu.vector_load %arg7[%get3A_214] {strides = array<i32>} : memref<4160xf32, #tpu.memory_space<vmem>>, vector<16xf32>,
    %add3A_216 = arith.addf %add3A_213, %get3A_215 : vector<16xf32>
    %get3A_217 = arith.constant 3646 : index
    %get3A_218 = tpu.vector_load %arg7[%get3A_217] {strides = array<i32>} : memref<4160xf32, #tpu.memory_space<vmem>>, vector<16xf32>,
    %add3A_219 = arith.addf %add3A_216, %get3A_218 : vector<16xf32>
    %get3A_220 = arith.constant 3903 : index
    %get3A_221 = tpu.vector_load %arg7[%get3A_220] {strides = array<i32>} : memref<4160xf32, #tpu.memory_space<vmem>>, vector<16xf32>,
    %add3A_222 = arith.addf %add3A_219, %get3A_221 : vector<16xf32>
    %swap3A_223 = arith.constant 48 : index
    %swap3A_224 = tpu.vector_load %arg8[%swap3A_223] {strides = array<i32>} : memref<256xf32, #tpu.memory_space<vmem>>, vector<16xf32>,
    tpu.vector_store %arg8[%swap3A_223], %add3A_222 {strides = array<i32>} : memref<256xf32, #tpu.memory_space<vmem>>, vector<16xf32>,
    %get3A_225 = arith.constant 64 : index
    %get3A_226 = tpu.vector_load %arg7[%get3A_225] {strides = array<i32>} : memref<4160xf32, #tpu.memory_space<vmem>>, vector<16xf32>,
    %add3A_227 = arith.addf %broadcast_in_dim3A_10, %get3A_226 : vector<16xf32>
    %get3A_228 = arith.constant 321 : index
    %get3A_229 = tpu.vector_load %arg7[%get3A_228] {strides = array<i32>} : memref<4160xf32, #tpu.memory_space<vmem>>, vector<16xf32>,
    %add3A_230 = arith.addf %add3A_227, %get3A_229 : vector<16xf32>
    %get3A_231 = arith.constant 578 : index
    %get3A_232 = tpu.vector_load %arg7[%get3A_231] {strides = array<i32>} : memref<4160xf32, #tpu.memory_space<vmem>>, vector<16xf32>,
    %add3A_233 = arith.addf %add3A_230, %get3A_232 : vector<16xf32>
    %get3A_234 = arith.constant 835 : index
    %get3A_235 = tpu.vector_load %arg7[%get3A_234] {strides = array<i32>} : memref<4160xf32, #tpu.memory_space<vmem>>, vector<16xf32>,
    %add3A_236 = arith.addf %add3A_233, %get3A_235 : vector<16xf32>
    %get3A_237 = arith.constant 1092 : index
    %get3A_238 = tpu.vector_load %arg7[%get3A_237] {strides = array<i32>} : memref<4160xf32, #tpu.memory_space<vmem>>, vector<16xf32>,
    %add3A_239 = arith.addf %add3A_236, %get3A_238 : vector<16xf32>
    %get3A_240 = arith.constant 1349 : index
    %get3A_241 = tpu.vector_load %arg7[%get3A_240] {strides = array<i32>} : memref<4160xf32, #tpu.memory_space<vmem>>, vector<16xf32>,
    %add3A_242 = arith.addf %add3A_239, %get3A_241 : vector<16xf32>
    %get3A_243 = arith.constant 1606 : index
    %get3A_244 = tpu.vector_load %arg7[%get3A_243] {strides = array<i32>} : memref<4160xf32, #tpu.memory_space<vmem>>, vector<16xf32>,
    %add3A_245 = arith.addf %add3A_242, %get3A_244 : vector<16xf32>
    %get3A_246 = arith.constant 1863 : index
    %get3A_247 = tpu.vector_load %arg7[%get3A_246] {strides = array<i32>} : memref<4160xf32, #tpu.memory_space<vmem>>, vector<16xf32>,
    %add3A_248 = arith.addf %add3A_245, %get3A_247 : vector<16xf32>
    %get3A_249 = arith.constant 2120 : index
    %get3A_250 = tpu.vector_load %arg7[%get3A_249] {strides = array<i32>} : memref<4160xf32, #tpu.memory_space<vmem>>, vector<16xf32>,
    %add3A_251 = arith.addf %add3A_248, %get3A_250 : vector<16xf32>
    %get3A_252 = arith.constant 2377 : index
    %get3A_253 = tpu.vector_load %arg7[%get3A_252] {strides = array<i32>} : memref<4160xf32, #tpu.memory_space<vmem>>, vector<16xf32>,
    %add3A_254 = arith.addf %add3A_251, %get3A_253 : vector<16xf32>
    %get3A_255 = arith.constant 2634 : index
    %get3A_256 = tpu.vector_load %arg7[%get3A_255] {strides = array<i32>} : memref<4160xf32, #tpu.memory_space<vmem>>, vector<16xf32>,
    %add3A_257 = arith.addf %add3A_254, %get3A_256 : vector<16xf32>
    %get3A_258 = arith.constant 2891 : index
    %get3A_259 = tpu.vector_load %arg7[%get3A_258] {strides = array<i32>} : memref<4160xf32, #tpu.memory_space<vmem>>, vector<16xf32>,
    %add3A_260 = arith.addf %add3A_257, %get3A_259 : vector<16xf32>
    %get3A_261 = arith.constant 3148 : index
    %get3A_262 = tpu.vector_load %arg7[%get3A_261] {strides = array<i32>} : memref<4160xf32, #tpu.memory_space<vmem>>, vector<16xf32>,
    %add3A_263 = arith.addf %add3A_260, %get3A_262 : vector<16xf32>
    %get3A_264 = arith.constant 3405 : index
    %get3A_265 = tpu.vector_load %arg7[%get3A_264] {strides = array<i32>} : memref<4160xf32, #tpu.memory_space<vmem>>, vector<16xf32>,
    %add3A_266 = arith.addf %add3A_263, %get3A_265 : vector<16xf32>
    %get3A_267 = arith.constant 3662 : index
    %get3A_268 = tpu.vector_load %arg7[%get3A_267] {strides = array<i32>} : memref<4160xf32, #tpu.memory_space<vmem>>, vector<16xf32>,
    %add3A_269 = arith.addf %add3A_266, %get3A_268 : vector<16xf32>
    %get3A_270 = arith.constant 3919 : index
    %get3A_271 = tpu.vector_load %arg7[%get3A_270] {strides = array<i32>} : memref<4160xf32, #tpu.memory_space<vmem>>, vector<16xf32>,
    %add3A_272 = arith.addf %add3A_269, %get3A_271 : vector<16xf32>
    %swap3A_273 = arith.constant 64 : index
    %swap3A_274 = tpu.vector_load %arg8[%swap3A_273] {strides = array<i32>} : memref<256xf32, #tpu.memory_space<vmem>>, vector<16xf32>,
    tpu.vector_store %arg8[%swap3A_273], %add3A_272 {strides = array<i32>} : memref<256xf32, #tpu.memory_space<vmem>>, vector<16xf32>,
    %get3A_275 = arith.constant 80 : index
    %get3A_276 = tpu.vector_load %arg7[%get3A_275] {strides = array<i32>} : memref<4160xf32, #tpu.memory_space<vmem>>, vector<16xf32>,
    %add3A_277 = arith.addf %broadcast_in_dim3A_10, %get3A_276 : vector<16xf32>
    %get3A_278 = arith.constant 337 : index
    %get3A_279 = tpu.vector_load %arg7[%get3A_278] {strides = array<i32>} : memref<4160xf32, #tpu.memory_space<vmem>>, vector<16xf32>,
    %add3A_280 = arith.addf %add3A_277, %get3A_279 : vector<16xf32>
    %get3A_281 = arith.constant 594 : index
    %get3A_282 = tpu.vector_load %arg7[%get3A_281] {strides = array<i32>} : memref<4160xf32, #tpu.memory_space<vmem>>, vector<16xf32>,
    %add3A_283 = arith.addf %add3A_280, %get3A_282 : vector<16xf32>
    %get3A_284 = arith.constant 851 : index
    %get3A_285 = tpu.vector_load %arg7[%get3A_284] {strides = array<i32>} : memref<4160xf32, #tpu.memory_space<vmem>>, vector<16xf32>,
    %add3A_286 = arith.addf %add3A_283, %get3A_285 : vector<16xf32>
    %get3A_287 = arith.constant 1108 : index
    %get3A_288 = tpu.vector_load %arg7[%get3A_287] {strides = array<i32>} : memref<4160xf32, #tpu.memory_space<vmem>>, vector<16xf32>,
    %add3A_289 = arith.addf %add3A_286, %get3A_288 : vector<16xf32>
    %get3A_290 = arith.constant 1365 : index
    %get3A_291 = tpu.vector_load %arg7[%get3A_290] {strides = array<i32>} : memref<4160xf32, #tpu.memory_space<vmem>>, vector<16xf32>,
    %add3A_292 = arith.addf %add3A_289, %get3A_291 : vector<16xf32>
    %get3A_293 = arith.constant 1622 : index
    %get3A_294 = tpu.vector_load %arg7[%get3A_293] {strides = array<i32>} : memref<4160xf32, #tpu.memory_space<vmem>>, vector<16xf32>,
    %add3A_295 = arith.addf %add3A_292, %get3A_294 : vector<16xf32>
    %get3A_296 = arith.constant 1879 : index
    %get3A_297 = tpu.vector_load %arg7[%get3A_296] {strides = array<i32>} : memref<4160xf32, #tpu.memory_space<vmem>>, vector<16xf32>,
    %add3A_298 = arith.addf %add3A_295, %get3A_297 : vector<16xf32>
    %get3A_299 = arith.constant 2136 : index
    %get3A_300 = tpu.vector_load %arg7[%get3A_299] {strides = array<i32>} : memref<4160xf32, #tpu.memory_space<vmem>>, vector<16xf32>,
    %add3A_301 = arith.addf %add3A_298, %get3A_300 : vector<16xf32>
    %get3A_302 = arith.constant 2393 : index
    %get3A_303 = tpu.vector_load %arg7[%get3A_302] {strides = array<i32>} : memref<4160xf32, #tpu.memory_space<vmem>>, vector<16xf32>,
    %add3A_304 = arith.addf %add3A_301, %get3A_303 : vector<16xf32>
    %get3A_305 = arith.constant 2650 : index
    %get3A_306 = tpu.vector_load %arg7[%get3A_305] {strides = array<i32>} : memref<4160xf32, #tpu.memory_space<vmem>>, vector<16xf32>,
    %add3A_307 = arith.addf %add3A_304, %get3A_306 : vector<16xf32>
    %get3A_308 = arith.constant 2907 : index
    %get3A_309 = tpu.vector_load %arg7[%get3A_308] {strides = array<i32>} : memref<4160xf32, #tpu.memory_space<vmem>>, vector<16xf32>,
    %add3A_310 = arith.addf %add3A_307, %get3A_309 : vector<16xf32>
    %get3A_311 = arith.constant 3164 : index
    %get3A_312 = tpu.vector_load %arg7[%get3A_311] {strides = array<i32>} : memref<4160xf32, #tpu.memory_space<vmem>>, vector<16xf32>,
    %add3A_313 = arith.addf %add3A_310, %get3A_312 : vector<16xf32>
    %get3A_314 = arith.constant 3421 : index
    %get3A_315 = tpu.vector_load %arg7[%get3A_314] {strides = array<i32>} : memref<4160xf32, #tpu.memory_space<vmem>>, vector<16xf32>,
    %add3A_316 = arith.addf %add3A_313, %get3A_315 : vector<16xf32>
    %get3A_317 = arith.constant 3678 : index
    %get3A_318 = tpu.vector_load %arg7[%get3A_317] {strides = array<i32>} : memref<4160xf32, #tpu.memory_space<vmem>>, vector<16xf32>,
    %add3A_319 = arith.addf %add3A_316, %get3A_318 : vector<16xf32>
    %get3A_320 = arith.constant 3935 : index
    %get3A_321 = tpu.vector_load %arg7[%get3A_320] {strides = array<i32>} : memref<4160xf32, #tpu.memory_space<vmem>>, vector<16xf32>,
    %add3A_322 = arith.addf %add3A_319, %get3A_321 : vector<16xf32>
    %swap3A_323 = arith.constant 80 : index
    %swap3A_324 = tpu.vector_load %arg8[%swap3A_323] {strides = array<i32>} : memref<256xf32, #tpu.memory_space<vmem>>, vector<16xf32>,
    tpu.vector_store %arg8[%swap3A_323], %add3A_322 {strides = array<i32>} : memref<256xf32, #tpu.memory_space<vmem>>, vector<16xf32>,
    %get3A_325 = arith.constant 96 : index
    %get3A_326 = tpu.vector_load %arg7[%get3A_325] {strides = array<i32>} : memref<4160xf32, #tpu.memory_space<vmem>>, vector<16xf32>,
    %add3A_327 = arith.addf %broadcast_in_dim3A_10, %get3A_326 : vector<16xf32>
    %get3A_328 = arith.constant 353 : index
    %get3A_329 = tpu.vector_load %arg7[%get3A_328] {strides = array<i32>} : memref<4160xf32, #tpu.memory_space<vmem>>, vector<16xf32>,
    %add3A_330 = arith.addf %add3A_327, %get3A_329 : vector<16xf32>
    %get3A_331 = arith.constant 610 : index
    %get3A_332 = tpu.vector_load %arg7[%get3A_331] {strides = array<i32>} : memref<4160xf32, #tpu.memory_space<vmem>>, vector<16xf32>,
    %add3A_333 = arith.addf %add3A_330, %get3A_332 : vector<16xf32>
    %get3A_334 = arith.constant 867 : index
    %get3A_335 = tpu.vector_load %arg7[%get3A_334] {strides = array<i32>} : memref<4160xf32, #tpu.memory_space<vmem>>, vector<16xf32>,
    %add3A_336 = arith.addf %add3A_333, %get3A_335 : vector<16xf32>
    %get3A_337 = arith.constant 1124 : index
    %get3A_338 = tpu.vector_load %arg7[%get3A_337] {strides = array<i32>} : memref<4160xf32, #tpu.memory_space<vmem>>, vector<16xf32>,
    %add3A_339 = arith.addf %add3A_336, %get3A_338 : vector<16xf32>
    %get3A_340 = arith.constant 1381 : index
    %get3A_341 = tpu.vector_load %arg7[%get3A_340] {strides = array<i32>} : memref<4160xf32, #tpu.memory_space<vmem>>, vector<16xf32>,
    %add3A_342 = arith.addf %add3A_339, %get3A_341 : vector<16xf32>
    %get3A_343 = arith.constant 1638 : index
    %get3A_344 = tpu.vector_load %arg7[%get3A_343] {strides = array<i32>} : memref<4160xf32, #tpu.memory_space<vmem>>, vector<16xf32>,
    %add3A_345 = arith.addf %add3A_342, %get3A_344 : vector<16xf32>
    %get3A_346 = arith.constant 1895 : index
    %get3A_347 = tpu.vector_load %arg7[%get3A_346] {strides = array<i32>} : memref<4160xf32, #tpu.memory_space<vmem>>, vector<16xf32>,
    %add3A_348 = arith.addf %add3A_345, %get3A_347 : vector<16xf32>
    %get3A_349 = arith.constant 2152 : index
    %get3A_350 = tpu.vector_load %arg7[%get3A_349] {strides = array<i32>} : memref<4160xf32, #tpu.memory_space<vmem>>, vector<16xf32>,
    %add3A_351 = arith.addf %add3A_348, %get3A_350 : vector<16xf32>
    %get3A_352 = arith.constant 2409 : index
    %get3A_353 = tpu.vector_load %arg7[%get3A_352] {strides = array<i32>} : memref<4160xf32, #tpu.memory_space<vmem>>, vector<16xf32>,
    %add3A_354 = arith.addf %add3A_351, %get3A_353 : vector<16xf32>
    %get3A_355 = arith.constant 2666 : index
    %get3A_356 = tpu.vector_load %arg7[%get3A_355] {strides = array<i32>} : memref<4160xf32, #tpu.memory_space<vmem>>, vector<16xf32>,
    %add3A_357 = arith.addf %add3A_354, %get3A_356 : vector<16xf32>
    %get3A_358 = arith.constant 2923 : index
    %get3A_359 = tpu.vector_load %arg7[%get3A_358] {strides = array<i32>} : memref<4160xf32, #tpu.memory_space<vmem>>, vector<16xf32>,
    %add3A_360 = arith.addf %add3A_357, %get3A_359 : vector<16xf32>
    %get3A_361 = arith.constant 3180 : index
    %get3A_362 = tpu.vector_load %arg7[%get3A_361] {strides = array<i32>} : memref<4160xf32, #tpu.memory_space<vmem>>, vector<16xf32>,
    %add3A_363 = arith.addf %add3A_360, %get3A_362 : vector<16xf32>
    %get3A_364 = arith.constant 3437 : index
    %get3A_365 = tpu.vector_load %arg7[%get3A_364] {strides = array<i32>} : memref<4160xf32, #tpu.memory_space<vmem>>, vector<16xf32>,
    %add3A_366 = arith.addf %add3A_363, %get3A_365 : vector<16xf32>
    %get3A_367 = arith.constant 3694 : index
    %get3A_368 = tpu.vector_load %arg7[%get3A_367] {strides = array<i32>} : memref<4160xf32, #tpu.memory_space<vmem>>, vector<16xf32>,
    %add3A_369 = arith.addf %add3A_366, %get3A_368 : vector<16xf32>
    %get3A_370 = arith.constant 3951 : index
    %get3A_371 = tpu.vector_load %arg7[%get3A_370] {strides = array<i32>} : memref<4160xf32, #tpu.memory_space<vmem>>, vector<16xf32>,
    %add3A_372 = arith.addf %add3A_369, %get3A_371 : vector<16xf32>
    %swap3A_373 = arith.constant 96 : index
    %swap3A_374 = tpu.vector_load %arg8[%swap3A_373] {strides = array<i32>} : memref<256xf32, #tpu.memory_space<vmem>>, vector<16xf32>,
    tpu.vector_store %arg8[%swap3A_373], %add3A_372 {strides = array<i32>} : memref<256xf32, #tpu.memory_space<vmem>>, vector<16xf32>,
    %get3A_375 = arith.constant 112 : index
    %get3A_376 = tpu.vector_load %arg7[%get3A_375] {strides = array<i32>} : memref<4160xf32, #tpu.memory_space<vmem>>, vector<16xf32>,
    %add3A_377 = arith.addf %broadcast_in_dim3A_10, %get3A_376 : vector<16xf32>
    %get3A_378 = arith.constant 369 : index
    %get3A_379 = tpu.vector_load %arg7[%get3A_378] {strides = array<i32>} : memref<4160xf32, #tpu.memory_space<vmem>>, vector<16xf32>,
    %add3A_380 = arith.addf %add3A_377, %get3A_379 : vector<16xf32>
    %get3A_381 = arith.constant 626 : index
    %get3A_382 = tpu.vector_load %arg7[%get3A_381] {strides = array<i32>} : memref<4160xf32, #tpu.memory_space<vmem>>, vector<16xf32>,
    %add3A_383 = arith.addf %add3A_380, %get3A_382 : vector<16xf32>
    %get3A_384 = arith.constant 883 : index
    %get3A_385 = tpu.vector_load %arg7[%get3A_384] {strides = array<i32>} : memref<4160xf32, #tpu.memory_space<vmem>>, vector<16xf32>,
    %add3A_386 = arith.addf %add3A_383, %get3A_385 : vector<16xf32>
    %get3A_387 = arith.constant 1140 : index
    %get3A_388 = tpu.vector_load %arg7[%get3A_387] {strides = array<i32>} : memref<4160xf32, #tpu.memory_space<vmem>>, vector<16xf32>,
    %add3A_389 = arith.addf %add3A_386, %get3A_388 : vector<16xf32>
    %get3A_390 = arith.constant 1397 : index
    %get3A_391 = tpu.vector_load %arg7[%get3A_390] {strides = array<i32>} : memref<4160xf32, #tpu.memory_space<vmem>>, vector<16xf32>,
    %add3A_392 = arith.addf %add3A_389, %get3A_391 : vector<16xf32>
    %get3A_393 = arith.constant 1654 : index
    %get3A_394 = tpu.vector_load %arg7[%get3A_393] {strides = array<i32>} : memref<4160xf32, #tpu.memory_space<vmem>>, vector<16xf32>,
    %add3A_395 = arith.addf %add3A_392, %get3A_394 : vector<16xf32>
    %get3A_396 = arith.constant 1911 : index
    %get3A_397 = tpu.vector_load %arg7[%get3A_396] {strides = array<i32>} : memref<4160xf32, #tpu.memory_space<vmem>>, vector<16xf32>,
    %add3A_398 = arith.addf %add3A_395, %get3A_397 : vector<16xf32>
    %get3A_399 = arith.constant 2168 : index
    %get3A_400 = tpu.vector_load %arg7[%get3A_399] {strides = array<i32>} : memref<4160xf32, #tpu.memory_space<vmem>>, vector<16xf32>,
    %add3A_401 = arith.addf %add3A_398, %get3A_400 : vector<16xf32>
    %get3A_402 = arith.constant 2425 : index
    %get3A_403 = tpu.vector_load %arg7[%get3A_402] {strides = array<i32>} : memref<4160xf32, #tpu.memory_space<vmem>>, vector<16xf32>,
    %add3A_404 = arith.addf %add3A_401, %get3A_403 : vector<16xf32>
    %get3A_405 = arith.constant 2682 : index
    %get3A_406 = tpu.vector_load %arg7[%get3A_405] {strides = array<i32>} : memref<4160xf32, #tpu.memory_space<vmem>>, vector<16xf32>,
    %add3A_407 = arith.addf %add3A_404, %get3A_406 : vector<16xf32>
    %get3A_408 = arith.constant 2939 : index
    %get3A_409 = tpu.vector_load %arg7[%get3A_408] {strides = array<i32>} : memref<4160xf32, #tpu.memory_space<vmem>>, vector<16xf32>,
    %add3A_410 = arith.addf %add3A_407, %get3A_409 : vector<16xf32>
    %get3A_411 = arith.constant 3196 : index
    %get3A_412 = tpu.vector_load %arg7[%get3A_411] {strides = array<i32>} : memref<4160xf32, #tpu.memory_space<vmem>>, vector<16xf32>,
    %add3A_413 = arith.addf %add3A_410, %get3A_412 : vector<16xf32>
    %get3A_414 = arith.constant 3453 : index
    %get3A_415 = tpu.vector_load %arg7[%get3A_414] {strides = array<i32>} : memref<4160xf32, #tpu.memory_space<vmem>>, vector<16xf32>,
    %add3A_416 = arith.addf %add3A_413, %get3A_415 : vector<16xf32>
    %get3A_417 = arith.constant 3710 : index
    %get3A_418 = tpu.vector_load %arg7[%get3A_417] {strides = array<i32>} : memref<4160xf32, #tpu.memory_space<vmem>>, vector<16xf32>,
    %add3A_419 = arith.addf %add3A_416, %get3A_418 : vector<16xf32>
    %get3A_420 = arith.constant 3967 : index
    %get3A_421 = tpu.vector_load %arg7[%get3A_420] {strides = array<i32>} : memref<4160xf32, #tpu.memory_space<vmem>>, vector<16xf32>,
    %add3A_422 = arith.addf %add3A_419, %get3A_421 : vector<16xf32>
    %swap3A_423 = arith.constant 112 : index
    %swap3A_424 = tpu.vector_load %arg8[%swap3A_423] {strides = array<i32>} : memref<256xf32, #tpu.memory_space<vmem>>, vector<16xf32>,
    tpu.vector_store %arg8[%swap3A_423], %add3A_422 {strides = array<i32>} : memref<256xf32, #tpu.memory_space<vmem>>, vector<16xf32>,
    %get3A_425 = arith.constant 128 : index
    %get3A_426 = tpu.vector_load %arg7[%get3A_425] {strides = array<i32>} : memref<4160xf32, #tpu.memory_space<vmem>>, vector<16xf32>,
    %add3A_427 = arith.addf %broadcast_in_dim3A_10, %get3A_426 : vector<16xf32>
    %get3A_428 = arith.constant 385 : index
    %get3A_429 = tpu.vector_load %arg7[%get3A_428] {strides = array<i32>} : memref<4160xf32, #tpu.memory_space<vmem>>, vector<16xf32>,
    %add3A_430 = arith.addf %add3A_427, %get3A_429 : vector<16xf32>
    %get3A_431 = arith.constant 642 : index
    %get3A_432 = tpu.vector_load %arg7[%get3A_431] {strides = array<i32>} : memref<4160xf32, #tpu.memory_space<vmem>>, vector<16xf32>,
    %add3A_433 = arith.addf %add3A_430, %get3A_432 : vector<16xf32>
    %get3A_434 = arith.constant 899 : index
    %get3A_435 = tpu.vector_load %arg7[%get3A_434] {strides = array<i32>} : memref<4160xf32, #tpu.memory_space<vmem>>, vector<16xf32>,
    %add3A_436 = arith.addf %add3A_433, %get3A_435 : vector<16xf32>
    %get3A_437 = arith.constant 1156 : index
    %get3A_438 = tpu.vector_load %arg7[%get3A_437] {strides = array<i32>} : memref<4160xf32, #tpu.memory_space<vmem>>, vector<16xf32>,
    %add3A_439 = arith.addf %add3A_436, %get3A_438 : vector<16xf32>
    %get3A_440 = arith.constant 1413 : index
    %get3A_441 = tpu.vector_load %arg7[%get3A_440] {strides = array<i32>} : memref<4160xf32, #tpu.memory_space<vmem>>, vector<16xf32>,
    %add3A_442 = arith.addf %add3A_439, %get3A_441 : vector<16xf32>
    %get3A_443 = arith.constant 1670 : index
    %get3A_444 = tpu.vector_load %arg7[%get3A_443] {strides = array<i32>} : memref<4160xf32, #tpu.memory_space<vmem>>, vector<16xf32>,
    %add3A_445 = arith.addf %add3A_442, %get3A_444 : vector<16xf32>
    %get3A_446 = arith.constant 1927 : index
    %get3A_447 = tpu.vector_load %arg7[%get3A_446] {strides = array<i32>} : memref<4160xf32, #tpu.memory_space<vmem>>, vector<16xf32>,
    %add3A_448 = arith.addf %add3A_445, %get3A_447 : vector<16xf32>
    %get3A_449 = arith.constant 2184 : index
    %get3A_450 = tpu.vector_load %arg7[%get3A_449] {strides = array<i32>} : memref<4160xf32, #tpu.memory_space<vmem>>, vector<16xf32>,
    %add3A_451 = arith.addf %add3A_448, %get3A_450 : vector<16xf32>
    %get3A_452 = arith.constant 2441 : index
    %get3A_453 = tpu.vector_load %arg7[%get3A_452] {strides = array<i32>} : memref<4160xf32, #tpu.memory_space<vmem>>, vector<16xf32>,
    %add3A_454 = arith.addf %add3A_451, %get3A_453 : vector<16xf32>
    %get3A_455 = arith.constant 2698 : index
    %get3A_456 = tpu.vector_load %arg7[%get3A_455] {strides = array<i32>} : memref<4160xf32, #tpu.memory_space<vmem>>, vector<16xf32>,
    %add3A_457 = arith.addf %add3A_454, %get3A_456 : vector<16xf32>
    %get3A_458 = arith.constant 2955 : index
    %get3A_459 = tpu.vector_load %arg7[%get3A_458] {strides = array<i32>} : memref<4160xf32, #tpu.memory_space<vmem>>, vector<16xf32>,
    %add3A_460 = arith.addf %add3A_457, %get3A_459 : vector<16xf32>
    %get3A_461 = arith.constant 3212 : index
    %get3A_462 = tpu.vector_load %arg7[%get3A_461] {strides = array<i32>} : memref<4160xf32, #tpu.memory_space<vmem>>, vector<16xf32>,
    %add3A_463 = arith.addf %add3A_460, %get3A_462 : vector<16xf32>
    %get3A_464 = arith.constant 3469 : index
    %get3A_465 = tpu.vector_load %arg7[%get3A_464] {strides = array<i32>} : memref<4160xf32, #tpu.memory_space<vmem>>, vector<16xf32>,
    %add3A_466 = arith.addf %add3A_463, %get3A_465 : vector<16xf32>
    %get3A_467 = arith.constant 3726 : index
    %get3A_468 = tpu.vector_load %arg7[%get3A_467] {strides = array<i32>} : memref<4160xf32, #tpu.memory_space<vmem>>, vector<16xf32>,
    %add3A_469 = arith.addf %add3A_466, %get3A_468 : vector<16xf32>
    %get3A_470 = arith.constant 3983 : index
    %get3A_471 = tpu.vector_load %arg7[%get3A_470] {strides = array<i32>} : memref<4160xf32, #tpu.memory_space<vmem>>, vector<16xf32>,
    %add3A_472 = arith.addf %add3A_469, %get3A_471 : vector<16xf32>
    %swap3A_473 = arith.constant 128 : index
    %swap3A_474 = tpu.vector_load %arg8[%swap3A_473] {strides = array<i32>} : memref<256xf32, #tpu.memory_space<vmem>>, vector<16xf32>,
    tpu.vector_store %arg8[%swap3A_473], %add3A_472 {strides = array<i32>} : memref<256xf32, #tpu.memory_space<vmem>>, vector<16xf32>,
    %get3A_475 = arith.constant 144 : index
    %get3A_476 = tpu.vector_load %arg7[%get3A_475] {strides = array<i32>} : memref<4160xf32, #tpu.memory_space<vmem>>, vector<16xf32>,
    %add3A_477 = arith.addf %broadcast_in_dim3A_10, %get3A_476 : vector<16xf32>
    %get3A_478 = arith.constant 401 : index
    %get3A_479 = tpu.vector_load %arg7[%get3A_478] {strides = array<i32>} : memref<4160xf32, #tpu.memory_space<vmem>>, vector<16xf32>,
    %add3A_480 = arith.addf %add3A_477, %get3A_479 : vector<16xf32>
    %get3A_481 = arith.constant 658 : index
    %get3A_482 = tpu.vector_load %arg7[%get3A_481] {strides = array<i32>} : memref<4160xf32, #tpu.memory_space<vmem>>, vector<16xf32>,
    %add3A_483 = arith.addf %add3A_480, %get3A_482 : vector<16xf32>
    %get3A_484 = arith.constant 915 : index
    %get3A_485 = tpu.vector_load %arg7[%get3A_484] {strides = array<i32>} : memref<4160xf32, #tpu.memory_space<vmem>>, vector<16xf32>,
    %add3A_486 = arith.addf %add3A_483, %get3A_485 : vector<16xf32>
    %get3A_487 = arith.constant 1172 : index
    %get3A_488 = tpu.vector_load %arg7[%get3A_487] {strides = array<i32>} : memref<4160xf32, #tpu.memory_space<vmem>>, vector<16xf32>,
    %add3A_489 = arith.addf %add3A_486, %get3A_488 : vector<16xf32>
    %get3A_490 = arith.constant 1429 : index
    %get3A_491 = tpu.vector_load %arg7[%get3A_490] {strides = array<i32>} : memref<4160xf32, #tpu.memory_space<vmem>>, vector<16xf32>,
    %add3A_492 = arith.addf %add3A_489, %get3A_491 : vector<16xf32>
    %get3A_493 = arith.constant 1686 : index
    %get3A_494 = tpu.vector_load %arg7[%get3A_493] {strides = array<i32>} : memref<4160xf32, #tpu.memory_space<vmem>>, vector<16xf32>,
    %add3A_495 = arith.addf %add3A_492, %get3A_494 : vector<16xf32>
    %get3A_496 = arith.constant 1943 : index
    %get3A_497 = tpu.vector_load %arg7[%get3A_496] {strides = array<i32>} : memref<4160xf32, #tpu.memory_space<vmem>>, vector<16xf32>,
    %add3A_498 = arith.addf %add3A_495, %get3A_497 : vector<16xf32>
    %get3A_499 = arith.constant 2200 : index
    %get3A_500 = tpu.vector_load %arg7[%get3A_499] {strides = array<i32>} : memref<4160xf32, #tpu.memory_space<vmem>>, vector<16xf32>,
    %add3A_501 = arith.addf %add3A_498, %get3A_500 : vector<16xf32>
    %get3A_502 = arith.constant 2457 : index
    %get3A_503 = tpu.vector_load %arg7[%get3A_502] {strides = array<i32>} : memref<4160xf32, #tpu.memory_space<vmem>>, vector<16xf32>,
    %add3A_504 = arith.addf %add3A_501, %get3A_503 : vector<16xf32>
    %get3A_505 = arith.constant 2714 : index
    %get3A_506 = tpu.vector_load %arg7[%get3A_505] {strides = array<i32>} : memref<4160xf32, #tpu.memory_space<vmem>>, vector<16xf32>,
    %add3A_507 = arith.addf %add3A_504, %get3A_506 : vector<16xf32>
    %get3A_508 = arith.constant 2971 : index
    %get3A_509 = tpu.vector_load %arg7[%get3A_508] {strides = array<i32>} : memref<4160xf32, #tpu.memory_space<vmem>>, vector<16xf32>,
    %add3A_510 = arith.addf %add3A_507, %get3A_509 : vector<16xf32>
    %get3A_511 = arith.constant 3228 : index
    %get3A_512 = tpu.vector_load %arg7[%get3A_511] {strides = array<i32>} : memref<4160xf32, #tpu.memory_space<vmem>>, vector<16xf32>,
    %add3A_513 = arith.addf %add3A_510, %get3A_512 : vector<16xf32>
    %get3A_514 = arith.constant 3485 : index
    %get3A_515 = tpu.vector_load %arg7[%get3A_514] {strides = array<i32>} : memref<4160xf32, #tpu.memory_space<vmem>>, vector<16xf32>,
    %add3A_516 = arith.addf %add3A_513, %get3A_515 : vector<16xf32>
    %get3A_517 = arith.constant 3742 : index
    %get3A_518 = tpu.vector_load %arg7[%get3A_517] {strides = array<i32>} : memref<4160xf32, #tpu.memory_space<vmem>>, vector<16xf32>,
    %add3A_519 = arith.addf %add3A_516, %get3A_518 : vector<16xf32>
    %get3A_520 = arith.constant 3999 : index
    %get3A_521 = tpu.vector_load %arg7[%get3A_520] {strides = array<i32>} : memref<4160xf32, #tpu.memory_space<vmem>>, vector<16xf32>,
    %add3A_522 = arith.addf %add3A_519, %get3A_521 : vector<16xf32>
    %swap3A_523 = arith.constant 144 : index
    %swap3A_524 = tpu.vector_load %arg8[%swap3A_523] {strides = array<i32>} : memref<256xf32, #tpu.memory_space<vmem>>, vector<16xf32>,
    tpu.vector_store %arg8[%swap3A_523], %add3A_522 {strides = array<i32>} : memref<256xf32, #tpu.memory_space<vmem>>, vector<16xf32>,
    %get3A_525 = arith.constant 160 : index
    %get3A_526 = tpu.vector_load %arg7[%get3A_525] {strides = array<i32>} : memref<4160xf32, #tpu.memory_space<vmem>>, vector<16xf32>,
    %add3A_527 = arith.addf %broadcast_in_dim3A_10, %get3A_526 : vector<16xf32>
    %get3A_528 = arith.constant 417 : index
    %get3A_529 = tpu.vector_load %arg7[%get3A_528] {strides = array<i32>} : memref<4160xf32, #tpu.memory_space<vmem>>, vector<16xf32>,
    %add3A_530 = arith.addf %add3A_527, %get3A_529 : vector<16xf32>
    %get3A_531 = arith.constant 674 : index
    %get3A_532 = tpu.vector_load %arg7[%get3A_531] {strides = array<i32>} : memref<4160xf32, #tpu.memory_space<vmem>>, vector<16xf32>,
    %add3A_533 = arith.addf %add3A_530, %get3A_532 : vector<16xf32>
    %get3A_534 = arith.constant 931 : index
    %get3A_535 = tpu.vector_load %arg7[%get3A_534] {strides = array<i32>} : memref<4160xf32, #tpu.memory_space<vmem>>, vector<16xf32>,
    %add3A_536 = arith.addf %add3A_533, %get3A_535 : vector<16xf32>
    %get3A_537 = arith.constant 1188 : index
    %get3A_538 = tpu.vector_load %arg7[%get3A_537] {strides = array<i32>} : memref<4160xf32, #tpu.memory_space<vmem>>, vector<16xf32>,
    %add3A_539 = arith.addf %add3A_536, %get3A_538 : vector<16xf32>
    %get3A_540 = arith.constant 1445 : index
    %get3A_541 = tpu.vector_load %arg7[%get3A_540] {strides = array<i32>} : memref<4160xf32, #tpu.memory_space<vmem>>, vector<16xf32>,
    %add3A_542 = arith.addf %add3A_539, %get3A_541 : vector<16xf32>
    %get3A_543 = arith.constant 1702 : index
    %get3A_544 = tpu.vector_load %arg7[%get3A_543] {strides = array<i32>} : memref<4160xf32, #tpu.memory_space<vmem>>, vector<16xf32>,
    %add3A_545 = arith.addf %add3A_542, %get3A_544 : vector<16xf32>
    %get3A_546 = arith.constant 1959 : index
    %get3A_547 = tpu.vector_load %arg7[%get3A_546] {strides = array<i32>} : memref<4160xf32, #tpu.memory_space<vmem>>, vector<16xf32>,
    %add3A_548 = arith.addf %add3A_545, %get3A_547 : vector<16xf32>
    %get3A_549 = arith.constant 2216 : index
    %get3A_550 = tpu.vector_load %arg7[%get3A_549] {strides = array<i32>} : memref<4160xf32, #tpu.memory_space<vmem>>, vector<16xf32>,
    %add3A_551 = arith.addf %add3A_548, %get3A_550 : vector<16xf32>
    %get3A_552 = arith.constant 2473 : index
    %get3A_553 = tpu.vector_load %arg7[%get3A_552] {strides = array<i32>} : memref<4160xf32, #tpu.memory_space<vmem>>, vector<16xf32>,
    %add3A_554 = arith.addf %add3A_551, %get3A_553 : vector<16xf32>
    %get3A_555 = arith.constant 2730 : index
    %get3A_556 = tpu.vector_load %arg7[%get3A_555] {strides = array<i32>} : memref<4160xf32, #tpu.memory_space<vmem>>, vector<16xf32>,
    %add3A_557 = arith.addf %add3A_554, %get3A_556 : vector<16xf32>
    %get3A_558 = arith.constant 2987 : index
    %get3A_559 = tpu.vector_load %arg7[%get3A_558] {strides = array<i32>} : memref<4160xf32, #tpu.memory_space<vmem>>, vector<16xf32>,
    %add3A_560 = arith.addf %add3A_557, %get3A_559 : vector<16xf32>
    %get3A_561 = arith.constant 3244 : index
    %get3A_562 = tpu.vector_load %arg7[%get3A_561] {strides = array<i32>} : memref<4160xf32, #tpu.memory_space<vmem>>, vector<16xf32>,
    %add3A_563 = arith.addf %add3A_560, %get3A_562 : vector<16xf32>
    %get3A_564 = arith.constant 3501 : index
    %get3A_565 = tpu.vector_load %arg7[%get3A_564] {strides = array<i32>} : memref<4160xf32, #tpu.memory_space<vmem>>, vector<16xf32>,
    %add3A_566 = arith.addf %add3A_563, %get3A_565 : vector<16xf32>
    %get3A_567 = arith.constant 3758 : index
    %get3A_568 = tpu.vector_load %arg7[%get3A_567] {strides = array<i32>} : memref<4160xf32, #tpu.memory_space<vmem>>, vector<16xf32>,
    %add3A_569 = arith.addf %add3A_566, %get3A_568 : vector<16xf32>
    %get3A_570 = arith.constant 4015 : index
    %get3A_571 = tpu.vector_load %arg7[%get3A_570] {strides = array<i32>} : memref<4160xf32, #tpu.memory_space<vmem>>, vector<16xf32>,
    %add3A_572 = arith.addf %add3A_569, %get3A_571 : vector<16xf32>
    %swap3A_573 = arith.constant 160 : index
    %swap3A_574 = tpu.vector_load %arg8[%swap3A_573] {strides = array<i32>} : memref<256xf32, #tpu.memory_space<vmem>>, vector<16xf32>,
    tpu.vector_store %arg8[%swap3A_573], %add3A_572 {strides = array<i32>} : memref<256xf32, #tpu.memory_space<vmem>>, vector<16xf32>,
    %get3A_575 = arith.constant 176 : index
    %get3A_576 = tpu.vector_load %arg7[%get3A_575] {strides = array<i32>} : memref<4160xf32, #tpu.memory_space<vmem>>, vector<16xf32>,
    %add3A_577 = arith.addf %broadcast_in_dim3A_10, %get3A_576 : vector<16xf32>
    %get3A_578 = arith.constant 433 : index
    %get3A_579 = tpu.vector_load %arg7[%get3A_578] {strides = array<i32>} : memref<4160xf32, #tpu.memory_space<vmem>>, vector<16xf32>,
    %add3A_580 = arith.addf %add3A_577, %get3A_579 : vector<16xf32>
    %get3A_581 = arith.constant 690 : index
    %get3A_582 = tpu.vector_load %arg7[%get3A_581] {strides = array<i32>} : memref<4160xf32, #tpu.memory_space<vmem>>, vector<16xf32>,
    %add3A_583 = arith.addf %add3A_580, %get3A_582 : vector<16xf32>
    %get3A_584 = arith.constant 947 : index
    %get3A_585 = tpu.vector_load %arg7[%get3A_584] {strides = array<i32>} : memref<4160xf32, #tpu.memory_space<vmem>>, vector<16xf32>,
    %add3A_586 = arith.addf %add3A_583, %get3A_585 : vector<16xf32>
    %get3A_587 = arith.constant 1204 : index
    %get3A_588 = tpu.vector_load %arg7[%get3A_587] {strides = array<i32>} : memref<4160xf32, #tpu.memory_space<vmem>>, vector<16xf32>,
    %add3A_589 = arith.addf %add3A_586, %get3A_588 : vector<16xf32>
    %get3A_590 = arith.constant 1461 : index
    %get3A_591 = tpu.vector_load %arg7[%get3A_590] {strides = array<i32>} : memref<4160xf32, #tpu.memory_space<vmem>>, vector<16xf32>,
    %add3A_592 = arith.addf %add3A_589, %get3A_591 : vector<16xf32>
    %get3A_593 = arith.constant 1718 : index
    %get3A_594 = tpu.vector_load %arg7[%get3A_593] {strides = array<i32>} : memref<4160xf32, #tpu.memory_space<vmem>>, vector<16xf32>,
    %add3A_595 = arith.addf %add3A_592, %get3A_594 : vector<16xf32>
    %get3A_596 = arith.constant 1975 : index
    %get3A_597 = tpu.vector_load %arg7[%get3A_596] {strides = array<i32>} : memref<4160xf32, #tpu.memory_space<vmem>>, vector<16xf32>,
    %add3A_598 = arith.addf %add3A_595, %get3A_597 : vector<16xf32>
    %get3A_599 = arith.constant 2232 : index
    %get3A_600 = tpu.vector_load %arg7[%get3A_599] {strides = array<i32>} : memref<4160xf32, #tpu.memory_space<vmem>>, vector<16xf32>,
    %add3A_601 = arith.addf %add3A_598, %get3A_600 : vector<16xf32>
    %get3A_602 = arith.constant 2489 : index
    %get3A_603 = tpu.vector_load %arg7[%get3A_602] {strides = array<i32>} : memref<4160xf32, #tpu.memory_space<vmem>>, vector<16xf32>,
    %add3A_604 = arith.addf %add3A_601, %get3A_603 : vector<16xf32>
    %get3A_605 = arith.constant 2746 : index
    %get3A_606 = tpu.vector_load %arg7[%get3A_605] {strides = array<i32>} : memref<4160xf32, #tpu.memory_space<vmem>>, vector<16xf32>,
    %add3A_607 = arith.addf %add3A_604, %get3A_606 : vector<16xf32>
    %get3A_608 = arith.constant 3003 : index
    %get3A_609 = tpu.vector_load %arg7[%get3A_608] {strides = array<i32>} : memref<4160xf32, #tpu.memory_space<vmem>>, vector<16xf32>,
    %add3A_610 = arith.addf %add3A_607, %get3A_609 : vector<16xf32>
    %get3A_611 = arith.constant 3260 : index
    %get3A_612 = tpu.vector_load %arg7[%get3A_611] {strides = array<i32>} : memref<4160xf32, #tpu.memory_space<vmem>>, vector<16xf32>,
    %add3A_613 = arith.addf %add3A_610, %get3A_612 : vector<16xf32>
    %get3A_614 = arith.constant 3517 : index
    %get3A_615 = tpu.vector_load %arg7[%get3A_614] {strides = array<i32>} : memref<4160xf32, #tpu.memory_space<vmem>>, vector<16xf32>,
    %add3A_616 = arith.addf %add3A_613, %get3A_615 : vector<16xf32>
    %get3A_617 = arith.constant 3774 : index
    %get3A_618 = tpu.vector_load %arg7[%get3A_617] {strides = array<i32>} : memref<4160xf32, #tpu.memory_space<vmem>>, vector<16xf32>,
    %add3A_619 = arith.addf %add3A_616, %get3A_618 : vector<16xf32>
    %get3A_620 = arith.constant 4031 : index
    %get3A_621 = tpu.vector_load %arg7[%get3A_620] {strides = array<i32>} : memref<4160xf32, #tpu.memory_space<vmem>>, vector<16xf32>,
    %add3A_622 = arith.addf %add3A_619, %get3A_621 : vector<16xf32>
    %swap3A_623 = arith.constant 176 : index
    %swap3A_624 = tpu.vector_load %arg8[%swap3A_623] {strides = array<i32>} : memref<256xf32, #tpu.memory_space<vmem>>, vector<16xf32>,
    tpu.vector_store %arg8[%swap3A_623], %add3A_622 {strides = array<i32>} : memref<256xf32, #tpu.memory_space<vmem>>, vector<16xf32>,
    %get3A_625 = arith.constant 192 : index
    %get3A_626 = tpu.vector_load %arg7[%get3A_625] {strides = array<i32>} : memref<4160xf32, #tpu.memory_space<vmem>>, vector<16xf32>,
    %add3A_627 = arith.addf %broadcast_in_dim3A_10, %get3A_626 : vector<16xf32>
    %get3A_628 = arith.constant 449 : index
    %get3A_629 = tpu.vector_load %arg7[%get3A_628] {strides = array<i32>} : memref<4160xf32, #tpu.memory_space<vmem>>, vector<16xf32>,
    %add3A_630 = arith.addf %add3A_627, %get3A_629 : vector<16xf32>
    %get3A_631 = arith.constant 706 : index
    %get3A_632 = tpu.vector_load %arg7[%get3A_631] {strides = array<i32>} : memref<4160xf32, #tpu.memory_space<vmem>>, vector<16xf32>,
    %add3A_633 = arith.addf %add3A_630, %get3A_632 : vector<16xf32>
    %get3A_634 = arith.constant 963 : index
    %get3A_635 = tpu.vector_load %arg7[%get3A_634] {strides = array<i32>} : memref<4160xf32, #tpu.memory_space<vmem>>, vector<16xf32>,
    %add3A_636 = arith.addf %add3A_633, %get3A_635 : vector<16xf32>
    %get3A_637 = arith.constant 1220 : index
    %get3A_638 = tpu.vector_load %arg7[%get3A_637] {strides = array<i32>} : memref<4160xf32, #tpu.memory_space<vmem>>, vector<16xf32>,
    %add3A_639 = arith.addf %add3A_636, %get3A_638 : vector<16xf32>
    %get3A_640 = arith.constant 1477 : index
    %get3A_641 = tpu.vector_load %arg7[%get3A_640] {strides = array<i32>} : memref<4160xf32, #tpu.memory_space<vmem>>, vector<16xf32>,
    %add3A_642 = arith.addf %add3A_639, %get3A_641 : vector<16xf32>
    %get3A_643 = arith.constant 1734 : index
    %get3A_644 = tpu.vector_load %arg7[%get3A_643] {strides = array<i32>} : memref<4160xf32, #tpu.memory_space<vmem>>, vector<16xf32>,
    %add3A_645 = arith.addf %add3A_642, %get3A_644 : vector<16xf32>
    %get3A_646 = arith.constant 1991 : index
    %get3A_647 = tpu.vector_load %arg7[%get3A_646] {strides = array<i32>} : memref<4160xf32, #tpu.memory_space<vmem>>, vector<16xf32>,
    %add3A_648 = arith.addf %add3A_645, %get3A_647 : vector<16xf32>
    %get3A_649 = arith.constant 2248 : index
    %get3A_650 = tpu.vector_load %arg7[%get3A_649] {strides = array<i32>} : memref<4160xf32, #tpu.memory_space<vmem>>, vector<16xf32>,
    %add3A_651 = arith.addf %add3A_648, %get3A_650 : vector<16xf32>
    %get3A_652 = arith.constant 2505 : index
    %get3A_653 = tpu.vector_load %arg7[%get3A_652] {strides = array<i32>} : memref<4160xf32, #tpu.memory_space<vmem>>, vector<16xf32>,
    %add3A_654 = arith.addf %add3A_651, %get3A_653 : vector<16xf32>
    %get3A_655 = arith.constant 2762 : index
    %get3A_656 = tpu.vector_load %arg7[%get3A_655] {strides = array<i32>} : memref<4160xf32, #tpu.memory_space<vmem>>, vector<16xf32>,
    %add3A_657 = arith.addf %add3A_654, %get3A_656 : vector<16xf32>
    %get3A_658 = arith.constant 3019 : index
    %get3A_659 = tpu.vector_load %arg7[%get3A_658] {strides = array<i32>} : memref<4160xf32, #tpu.memory_space<vmem>>, vector<16xf32>,
    %add3A_660 = arith.addf %add3A_657, %get3A_659 : vector<16xf32>
    %get3A_661 = arith.constant 3276 : index
    %get3A_662 = tpu.vector_load %arg7[%get3A_661] {strides = array<i32>} : memref<4160xf32, #tpu.memory_space<vmem>>, vector<16xf32>,
    %add3A_663 = arith.addf %add3A_660, %get3A_662 : vector<16xf32>
    %get3A_664 = arith.constant 3533 : index
    %get3A_665 = tpu.vector_load %arg7[%get3A_664] {strides = array<i32>} : memref<4160xf32, #tpu.memory_space<vmem>>, vector<16xf32>,
    %add3A_666 = arith.addf %add3A_663, %get3A_665 : vector<16xf32>
    %get3A_667 = arith.constant 3790 : index
    %get3A_668 = tpu.vector_load %arg7[%get3A_667] {strides = array<i32>} : memref<4160xf32, #tpu.memory_space<vmem>>, vector<16xf32>,
    %add3A_669 = arith.addf %add3A_666, %get3A_668 : vector<16xf32>
    %get3A_670 = arith.constant 4047 : index
    %get3A_671 = tpu.vector_load %arg7[%get3A_670] {strides = array<i32>} : memref<4160xf32, #tpu.memory_space<vmem>>, vector<16xf32>,
    %add3A_672 = arith.addf %add3A_669, %get3A_671 : vector<16xf32>
    %swap3A_673 = arith.constant 192 : index
    %swap3A_674 = tpu.vector_load %arg8[%swap3A_673] {strides = array<i32>} : memref<256xf32, #tpu.memory_space<vmem>>, vector<16xf32>,
    tpu.vector_store %arg8[%swap3A_673], %add3A_672 {strides = array<i32>} : memref<256xf32, #tpu.memory_space<vmem>>, vector<16xf32>,
    %get3A_675 = arith.constant 208 : index
    %get3A_676 = tpu.vector_load %arg7[%get3A_675] {strides = array<i32>} : memref<4160xf32, #tpu.memory_space<vmem>>, vector<16xf32>,
    %add3A_677 = arith.addf %broadcast_in_dim3A_10, %get3A_676 : vector<16xf32>
    %get3A_678 = arith.constant 465 : index
    %get3A_679 = tpu.vector_load %arg7[%get3A_678] {strides = array<i32>} : memref<4160xf32, #tpu.memory_space<vmem>>, vector<16xf32>,
    %add3A_680 = arith.addf %add3A_677, %get3A_679 : vector<16xf32>
    %get3A_681 = arith.constant 722 : index
    %get3A_682 = tpu.vector_load %arg7[%get3A_681] {strides = array<i32>} : memref<4160xf32, #tpu.memory_space<vmem>>, vector<16xf32>,
    %add3A_683 = arith.addf %add3A_680, %get3A_682 : vector<16xf32>
    %get3A_684 = arith.constant 979 : index
    %get3A_685 = tpu.vector_load %arg7[%get3A_684] {strides = array<i32>} : memref<4160xf32, #tpu.memory_space<vmem>>, vector<16xf32>,
    %add3A_686 = arith.addf %add3A_683, %get3A_685 : vector<16xf32>
    %get3A_687 = arith.constant 1236 : index
    %get3A_688 = tpu.vector_load %arg7[%get3A_687] {strides = array<i32>} : memref<4160xf32, #tpu.memory_space<vmem>>, vector<16xf32>,
    %add3A_689 = arith.addf %add3A_686, %get3A_688 : vector<16xf32>
    %get3A_690 = arith.constant 1493 : index
    %get3A_691 = tpu.vector_load %arg7[%get3A_690] {strides = array<i32>} : memref<4160xf32, #tpu.memory_space<vmem>>, vector<16xf32>,
    %add3A_692 = arith.addf %add3A_689, %get3A_691 : vector<16xf32>
    %get3A_693 = arith.constant 1750 : index
    %get3A_694 = tpu.vector_load %arg7[%get3A_693] {strides = array<i32>} : memref<4160xf32, #tpu.memory_space<vmem>>, vector<16xf32>,
    %add3A_695 = arith.addf %add3A_692, %get3A_694 : vector<16xf32>
    %get3A_696 = arith.constant 2007 : index
    %get3A_697 = tpu.vector_load %arg7[%get3A_696] {strides = array<i32>} : memref<4160xf32, #tpu.memory_space<vmem>>, vector<16xf32>,
    %add3A_698 = arith.addf %add3A_695, %get3A_697 : vector<16xf32>
    %get3A_699 = arith.constant 2264 : index
    %get3A_700 = tpu.vector_load %arg7[%get3A_699] {strides = array<i32>} : memref<4160xf32, #tpu.memory_space<vmem>>, vector<16xf32>,
    %add3A_701 = arith.addf %add3A_698, %get3A_700 : vector<16xf32>
    %get3A_702 = arith.constant 2521 : index
    %get3A_703 = tpu.vector_load %arg7[%get3A_702] {strides = array<i32>} : memref<4160xf32, #tpu.memory_space<vmem>>, vector<16xf32>,
    %add3A_704 = arith.addf %add3A_701, %get3A_703 : vector<16xf32>
    %get3A_705 = arith.constant 2778 : index
    %get3A_706 = tpu.vector_load %arg7[%get3A_705] {strides = array<i32>} : memref<4160xf32, #tpu.memory_space<vmem>>, vector<16xf32>,
    %add3A_707 = arith.addf %add3A_704, %get3A_706 : vector<16xf32>
    %get3A_708 = arith.constant 3035 : index
    %get3A_709 = tpu.vector_load %arg7[%get3A_708] {strides = array<i32>} : memref<4160xf32, #tpu.memory_space<vmem>>, vector<16xf32>,
    %add3A_710 = arith.addf %add3A_707, %get3A_709 : vector<16xf32>
    %get3A_711 = arith.constant 3292 : index
    %get3A_712 = tpu.vector_load %arg7[%get3A_711] {strides = array<i32>} : memref<4160xf32, #tpu.memory_space<vmem>>, vector<16xf32>,
    %add3A_713 = arith.addf %add3A_710, %get3A_712 : vector<16xf32>
    %get3A_714 = arith.constant 3549 : index
    %get3A_715 = tpu.vector_load %arg7[%get3A_714] {strides = array<i32>} : memref<4160xf32, #tpu.memory_space<vmem>>, vector<16xf32>,
    %add3A_716 = arith.addf %add3A_713, %get3A_715 : vector<16xf32>
    %get3A_717 = arith.constant 3806 : index
    %get3A_718 = tpu.vector_load %arg7[%get3A_717] {strides = array<i32>} : memref<4160xf32, #tpu.memory_space<vmem>>, vector<16xf32>,
    %add3A_719 = arith.addf %add3A_716, %get3A_718 : vector<16xf32>
    %get3A_720 = arith.constant 4063 : index
    %get3A_721 = tpu.vector_load %arg7[%get3A_720] {strides = array<i32>} : memref<4160xf32, #tpu.memory_space<vmem>>, vector<16xf32>,
    %add3A_722 = arith.addf %add3A_719, %get3A_721 : vector<16xf32>
    %swap3A_723 = arith.constant 208 : index
    %swap3A_724 = tpu.vector_load %arg8[%swap3A_723] {strides = array<i32>} : memref<256xf32, #tpu.memory_space<vmem>>, vector<16xf32>,
    tpu.vector_store %arg8[%swap3A_723], %add3A_722 {strides = array<i32>} : memref<256xf32, #tpu.memory_space<vmem>>, vector<16xf32>,
    %get3A_725 = arith.constant 224 : index
    %get3A_726 = tpu.vector_load %arg7[%get3A_725] {strides = array<i32>} : memref<4160xf32, #tpu.memory_space<vmem>>, vector<16xf32>,
    %add3A_727 = arith.addf %broadcast_in_dim3A_10, %get3A_726 : vector<16xf32>
    %get3A_728 = arith.constant 481 : index
    %get3A_729 = tpu.vector_load %arg7[%get3A_728] {strides = array<i32>} : memref<4160xf32, #tpu.memory_space<vmem>>, vector<16xf32>,
    %add3A_730 = arith.addf %add3A_727, %get3A_729 : vector<16xf32>
    %get3A_731 = arith.constant 738 : index
    %get3A_732 = tpu.vector_load %arg7[%get3A_731] {strides = array<i32>} : memref<4160xf32, #tpu.memory_space<vmem>>, vector<16xf32>,
    %add3A_733 = arith.addf %add3A_730, %get3A_732 : vector<16xf32>
    %get3A_734 = arith.constant 995 : index
    %get3A_735 = tpu.vector_load %arg7[%get3A_734] {strides = array<i32>} : memref<4160xf32, #tpu.memory_space<vmem>>, vector<16xf32>,
    %add3A_736 = arith.addf %add3A_733, %get3A_735 : vector<16xf32>
    %get3A_737 = arith.constant 1252 : index
    %get3A_738 = tpu.vector_load %arg7[%get3A_737] {strides = array<i32>} : memref<4160xf32, #tpu.memory_space<vmem>>, vector<16xf32>,
    %add3A_739 = arith.addf %add3A_736, %get3A_738 : vector<16xf32>
    %get3A_740 = arith.constant 1509 : index
    %get3A_741 = tpu.vector_load %arg7[%get3A_740] {strides = array<i32>} : memref<4160xf32, #tpu.memory_space<vmem>>, vector<16xf32>,
    %add3A_742 = arith.addf %add3A_739, %get3A_741 : vector<16xf32>
    %get3A_743 = arith.constant 1766 : index
    %get3A_744 = tpu.vector_load %arg7[%get3A_743] {strides = array<i32>} : memref<4160xf32, #tpu.memory_space<vmem>>, vector<16xf32>,
    %add3A_745 = arith.addf %add3A_742, %get3A_744 : vector<16xf32>
    %get3A_746 = arith.constant 2023 : index
    %get3A_747 = tpu.vector_load %arg7[%get3A_746] {strides = array<i32>} : memref<4160xf32, #tpu.memory_space<vmem>>, vector<16xf32>,
    %add3A_748 = arith.addf %add3A_745, %get3A_747 : vector<16xf32>
    %get3A_749 = arith.constant 2280 : index
    %get3A_750 = tpu.vector_load %arg7[%get3A_749] {strides = array<i32>} : memref<4160xf32, #tpu.memory_space<vmem>>, vector<16xf32>,
    %add3A_751 = arith.addf %add3A_748, %get3A_750 : vector<16xf32>
    %get3A_752 = arith.constant 2537 : index
    %get3A_753 = tpu.vector_load %arg7[%get3A_752] {strides = array<i32>} : memref<4160xf32, #tpu.memory_space<vmem>>, vector<16xf32>,
    %add3A_754 = arith.addf %add3A_751, %get3A_753 : vector<16xf32>
    %get3A_755 = arith.constant 2794 : index
    %get3A_756 = tpu.vector_load %arg7[%get3A_755] {strides = array<i32>} : memref<4160xf32, #tpu.memory_space<vmem>>, vector<16xf32>,
    %add3A_757 = arith.addf %add3A_754, %get3A_756 : vector<16xf32>
    %get3A_758 = arith.constant 3051 : index
    %get3A_759 = tpu.vector_load %arg7[%get3A_758] {strides = array<i32>} : memref<4160xf32, #tpu.memory_space<vmem>>, vector<16xf32>,
    %add3A_760 = arith.addf %add3A_757, %get3A_759 : vector<16xf32>
    %get3A_761 = arith.constant 3308 : index
    %get3A_762 = tpu.vector_load %arg7[%get3A_761] {strides = array<i32>} : memref<4160xf32, #tpu.memory_space<vmem>>, vector<16xf32>,
    %add3A_763 = arith.addf %add3A_760, %get3A_762 : vector<16xf32>
    %get3A_764 = arith.constant 3565 : index
    %get3A_765 = tpu.vector_load %arg7[%get3A_764] {strides = array<i32>} : memref<4160xf32, #tpu.memory_space<vmem>>, vector<16xf32>,
    %add3A_766 = arith.addf %add3A_763, %get3A_765 : vector<16xf32>
    %get3A_767 = arith.constant 3822 : index
    %get3A_768 = tpu.vector_load %arg7[%get3A_767] {strides = array<i32>} : memref<4160xf32, #tpu.memory_space<vmem>>, vector<16xf32>,
    %add3A_769 = arith.addf %add3A_766, %get3A_768 : vector<16xf32>
    %get3A_770 = arith.constant 4079 : index
    %get3A_771 = tpu.vector_load %arg7[%get3A_770] {strides = array<i32>} : memref<4160xf32, #tpu.memory_space<vmem>>, vector<16xf32>,
    %add3A_772 = arith.addf %add3A_769, %get3A_771 : vector<16xf32>
    %swap3A_773 = arith.constant 224 : index
    %swap3A_774 = tpu.vector_load %arg8[%swap3A_773] {strides = array<i32>} : memref<256xf32, #tpu.memory_space<vmem>>, vector<16xf32>,
    tpu.vector_store %arg8[%swap3A_773], %add3A_772 {strides = array<i32>} : memref<256xf32, #tpu.memory_space<vmem>>, vector<16xf32>,
    %get3A_775 = arith.constant 240 : index
    %get3A_776 = tpu.vector_load %arg7[%get3A_775] {strides = array<i32>} : memref<4160xf32, #tpu.memory_space<vmem>>, vector<16xf32>,
    %add3A_777 = arith.addf %broadcast_in_dim3A_10, %get3A_776 : vector<16xf32>
    %get3A_778 = arith.constant 497 : index
    %get3A_779 = tpu.vector_load %arg7[%get3A_778] {strides = array<i32>} : memref<4160xf32, #tpu.memory_space<vmem>>, vector<16xf32>,
    %add3A_780 = arith.addf %add3A_777, %get3A_779 : vector<16xf32>
    %get3A_781 = arith.constant 754 : index
    %get3A_782 = tpu.vector_load %arg7[%get3A_781] {strides = array<i32>} : memref<4160xf32, #tpu.memory_space<vmem>>, vector<16xf32>,
    %add3A_783 = arith.addf %add3A_780, %get3A_782 : vector<16xf32>
    %get3A_784 = arith.constant 1011 : index
    %get3A_785 = tpu.vector_load %arg7[%get3A_784] {strides = array<i32>} : memref<4160xf32, #tpu.memory_space<vmem>>, vector<16xf32>,
    %add3A_786 = arith.addf %add3A_783, %get3A_785 : vector<16xf32>
    %get3A_787 = arith.constant 1268 : index
    %get3A_788 = tpu.vector_load %arg7[%get3A_787] {strides = array<i32>} : memref<4160xf32, #tpu.memory_space<vmem>>, vector<16xf32>,
    %add3A_789 = arith.addf %add3A_786, %get3A_788 : vector<16xf32>
    %get3A_790 = arith.constant 1525 : index
    %get3A_791 = tpu.vector_load %arg7[%get3A_790] {strides = array<i32>} : memref<4160xf32, #tpu.memory_space<vmem>>, vector<16xf32>,
    %add3A_792 = arith.addf %add3A_789, %get3A_791 : vector<16xf32>
    %get3A_793 = arith.constant 1782 : index
    %get3A_794 = tpu.vector_load %arg7[%get3A_793] {strides = array<i32>} : memref<4160xf32, #tpu.memory_space<vmem>>, vector<16xf32>,
    %add3A_795 = arith.addf %add3A_792, %get3A_794 : vector<16xf32>
    %get3A_796 = arith.constant 2039 : index
    %get3A_797 = tpu.vector_load %arg7[%get3A_796] {strides = array<i32>} : memref<4160xf32, #tpu.memory_space<vmem>>, vector<16xf32>,
    %add3A_798 = arith.addf %add3A_795, %get3A_797 : vector<16xf32>
    %get3A_799 = arith.constant 2296 : index
    %get3A_800 = tpu.vector_load %arg7[%get3A_799] {strides = array<i32>} : memref<4160xf32, #tpu.memory_space<vmem>>, vector<16xf32>,
    %add3A_801 = arith.addf %add3A_798, %get3A_800 : vector<16xf32>
    %get3A_802 = arith.constant 2553 : index
    %get3A_803 = tpu.vector_load %arg7[%get3A_802] {strides = array<i32>} : memref<4160xf32, #tpu.memory_space<vmem>>, vector<16xf32>,
    %add3A_804 = arith.addf %add3A_801, %get3A_803 : vector<16xf32>
    %get3A_805 = arith.constant 2810 : index
    %get3A_806 = tpu.vector_load %arg7[%get3A_805] {strides = array<i32>} : memref<4160xf32, #tpu.memory_space<vmem>>, vector<16xf32>,
    %add3A_807 = arith.addf %add3A_804, %get3A_806 : vector<16xf32>
    %get3A_808 = arith.constant 3067 : index
    %get3A_809 = tpu.vector_load %arg7[%get3A_808] {strides = array<i32>} : memref<4160xf32, #tpu.memory_space<vmem>>, vector<16xf32>,
    %add3A_810 = arith.addf %add3A_807, %get3A_809 : vector<16xf32>
    %get3A_811 = arith.constant 3324 : index
    %get3A_812 = tpu.vector_load %arg7[%get3A_811] {strides = array<i32>} : memref<4160xf32, #tpu.memory_space<vmem>>, vector<16xf32>,
    %add3A_813 = arith.addf %add3A_810, %get3A_812 : vector<16xf32>
    %get3A_814 = arith.constant 3581 : index
    %get3A_815 = tpu.vector_load %arg7[%get3A_814] {strides = array<i32>} : memref<4160xf32, #tpu.memory_space<vmem>>, vector<16xf32>,
    %add3A_816 = arith.addf %add3A_813, %get3A_815 : vector<16xf32>
    %get3A_817 = arith.constant 3838 : index
    %get3A_818 = tpu.vector_load %arg7[%get3A_817] {strides = array<i32>} : memref<4160xf32, #tpu.memory_space<vmem>>, vector<16xf32>,
    %add3A_819 = arith.addf %add3A_816, %get3A_818 : vector<16xf32>
    %get3A_820 = arith.constant 4095 : index
    %get3A_821 = tpu.vector_load %arg7[%get3A_820] {strides = array<i32>} : memref<4160xf32, #tpu.memory_space<vmem>>, vector<16xf32>,
    %add3A_822 = arith.addf %add3A_819, %get3A_821 : vector<16xf32>
    %swap3A_823 = arith.constant 240 : index
    %swap3A_824 = tpu.vector_load %arg8[%swap3A_823] {strides = array<i32>} : memref<256xf32, #tpu.memory_space<vmem>>, vector<16xf32>,
    tpu.vector_store %arg8[%swap3A_823], %add3A_822 {strides = array<i32>} : memref<256xf32, #tpu.memory_space<vmem>>, vector<16xf32>,
    "tpu.region"() ({
      %run_scoped3A = tpu.sem_alloc : memref<!tpu.dma_semaphore, #tpu.memory_space<semaphore_mem>>
      %dma_start3A_941 = arith.constant 0 : i32
      %dma_start3A_942 = tpu.memref_slice %arg9[%arg1, %dma_start3A_941] : memref<16x256xf32, #tpu.memory_space<vmem_shared>> -> memref<1x256xf32, #tpu.memory_space<vmem_shared>>
      %dma_start3A_943 = tpu.memref_squeeze %dma_start3A_942 : memref<1x256xf32, #tpu.memory_space<vmem_shared>> -> memref<256xf32, #tpu.memory_space<vmem_shared>>
      %dma_start3A_944 = arith.constant 0 : i32
      %dma_start3A_945 = tpu.memref_slice %arg9[%arg1, %dma_start3A_944] : memref<16x256xf32, #tpu.memory_space<vmem_shared>> -> memref<1x256xf32, #tpu.memory_space<vmem_shared>>
      %dma_start3A_946 = tpu.memref_squeeze %dma_start3A_945 : memref<1x256xf32, #tpu.memory_space<vmem_shared>> -> memref<256xf32, #tpu.memory_space<vmem_shared>>
      tpu.enqueue_dma source(%arg8 : memref<256xf32, #tpu.memory_space<vmem>>) target(%dma_start3A_946 : memref<256xf32, #tpu.memory_space<vmem_shared>>) target_semaphore(%run_scoped3A : memref<!tpu.dma_semaphore, #tpu.memory_space<semaphore_mem>>)
      %dma_wait3A_947 = arith.constant 0 : i32
      %dma_wait3A_948 = tpu.memref_slice %arg9[%arg1, %dma_wait3A_947] : memref<16x256xf32, #tpu.memory_space<vmem_shared>> -> memref<1x256xf32, #tpu.memory_space<vmem_shared>>
      %dma_wait3A_949 = tpu.memref_squeeze %dma_wait3A_948 : memref<1x256xf32, #tpu.memory_space<vmem_shared>> -> memref<256xf32, #tpu.memory_space<vmem_shared>>
      %dma_wait3A_950 = arith.constant 0 : i32
      %dma_wait3A_951 = tpu.memref_slice %arg9[%arg1, %dma_wait3A_950] : memref<16x256xf32, #tpu.memory_space<vmem_shared>> -> memref<1x256xf32, #tpu.memory_space<vmem_shared>>
      %dma_wait3A_952 = tpu.memref_squeeze %dma_wait3A_951 : memref<1x256xf32, #tpu.memory_space<vmem_shared>> -> memref<256xf32, #tpu.memory_space<vmem_shared>>
      tpu.wait_dma2 semaphore(%run_scoped3A : memref<!tpu.dma_semaphore, #tpu.memory_space<semaphore_mem>>) src(%arg8 : memref<256xf32, #tpu.memory_space<vmem>>) dst(%dma_wait3A_952 : memref<256xf32, #tpu.memory_space<vmem_shared>>)
      tpu.yield
    }) : () -> ()
    %barrier3A = arith.constant 0 : index
    tpu.barrier barrier_id(%barrier3A)
    "tpu.region"() ({
      %run_scoped3A = tpu.sem_alloc : memref<!tpu.dma_semaphore, #tpu.memory_space<semaphore_mem>>
      tpu.enqueue_dma source(%arg9 : memref<16x256xf32, #tpu.memory_space<vmem_shared>>) target(%arg10 : memref<16x256xf32, #tpu.memory_space<vmem>>) target_semaphore(%run_scoped3A : memref<!tpu.dma_semaphore, #tpu.memory_space<semaphore_mem>>)
      tpu.wait_dma2 semaphore(%run_scoped3A : memref<!tpu.dma_semaphore, #tpu.memory_space<semaphore_mem>>) src(%arg9 : memref<16x256xf32, #tpu.memory_space<vmem_shared>>) dst(%arg10 : memref<16x256xf32, #tpu.memory_space<vmem>>)
      tpu.yield
    }) : () -> ()
    %mul3A_825 = arith.constant 16 : i32
    %mul3A_826 = arith.muli %arg1, %mul3A_825 : i32
    %get3A_827 = arith.constant 0 : i32
    %get3A_828 = arith.index_cast %get3A_827 : i32 to index
    %get3A_829 = arith.index_cast %mul3A_826 : i32 to index
    %get3A_830 = tpu.vector_load %arg10[%get3A_828, %get3A_829] {strides = array<i32>} : memref<16x256xf32, #tpu.memory_space<vmem>>, vector<16xf32>,
    %add3A_831 = arith.addf %broadcast_in_dim3A_10, %get3A_830 : vector<16xf32>
    %mul3A_832 = arith.constant 16 : i32
    %mul3A_833 = arith.muli %arg1, %mul3A_832 : i32
    %get3A_834 = arith.constant 1 : i32
    %get3A_835 = arith.index_cast %get3A_834 : i32 to index
    %get3A_836 = arith.index_cast %mul3A_833 : i32 to index
    %get3A_837 = tpu.vector_load %arg10[%get3A_835, %get3A_836] {strides = array<i32>} : memref<16x256xf32, #tpu.memory_space<vmem>>, vector<16xf32>,
    %add3A_838 = arith.addf %add3A_831, %get3A_837 : vector<16xf32>
    %mul3A_839 = arith.constant 16 : i32
    %mul3A_840 = arith.muli %arg1, %mul3A_839 : i32
    %get3A_841 = arith.constant 2 : i32
    %get3A_842 = arith.index_cast %get3A_841 : i32 to index
    %get3A_843 = arith.index_cast %mul3A_840 : i32 to index
    %get3A_844 = tpu.vector_load %arg10[%get3A_842, %get3A_843] {strides = array<i32>} : memref<16x256xf32, #tpu.memory_space<vmem>>, vector<16xf32>,
    %add3A_845 = arith.addf %add3A_838, %get3A_844 : vector<16xf32>
    %mul3A_846 = arith.constant 16 : i32
    %mul3A_847 = arith.muli %arg1, %mul3A_846 : i32
    %get3A_848 = arith.constant 3 : i32
    %get3A_849 = arith.index_cast %get3A_848 : i32 to index
    %get3A_850 = arith.index_cast %mul3A_847 : i32 to index
    %get3A_851 = tpu.vector_load %arg10[%get3A_849, %get3A_850] {strides = array<i32>} : memref<16x256xf32, #tpu.memory_space<vmem>>, vector<16xf32>,
    %add3A_852 = arith.addf %add3A_845, %get3A_851 : vector<16xf32>
    %mul3A_853 = arith.constant 16 : i32
    %mul3A_854 = arith.muli %arg1, %mul3A_853 : i32
    %get3A_855 = arith.constant 4 : i32
    %get3A_856 = arith.index_cast %get3A_855 : i32 to index
    %get3A_857 = arith.index_cast %mul3A_854 : i32 to index
    %get3A_858 = tpu.vector_load %arg10[%get3A_856, %get3A_857] {strides = array<i32>} : memref<16x256xf32, #tpu.memory_space<vmem>>, vector<16xf32>,
    %add3A_859 = arith.addf %add3A_852, %get3A_858 : vector<16xf32>
    %mul3A_860 = arith.constant 16 : i32
    %mul3A_861 = arith.muli %arg1, %mul3A_860 : i32
    %get3A_862 = arith.constant 5 : i32
    %get3A_863 = arith.index_cast %get3A_862 : i32 to index
    %get3A_864 = arith.index_cast %mul3A_861 : i32 to index
    %get3A_865 = tpu.vector_load %arg10[%get3A_863, %get3A_864] {strides = array<i32>} : memref<16x256xf32, #tpu.memory_space<vmem>>, vector<16xf32>,
    %add3A_866 = arith.addf %add3A_859, %get3A_865 : vector<16xf32>
    %mul3A_867 = arith.constant 16 : i32
    %mul3A_868 = arith.muli %arg1, %mul3A_867 : i32
    %get3A_869 = arith.constant 6 : i32
    %get3A_870 = arith.index_cast %get3A_869 : i32 to index
    %get3A_871 = arith.index_cast %mul3A_868 : i32 to index
    %get3A_872 = tpu.vector_load %arg10[%get3A_870, %get3A_871] {strides = array<i32>} : memref<16x256xf32, #tpu.memory_space<vmem>>, vector<16xf32>,
    %add3A_873 = arith.addf %add3A_866, %get3A_872 : vector<16xf32>
    %mul3A_874 = arith.constant 16 : i32
    %mul3A_875 = arith.muli %arg1, %mul3A_874 : i32
    %get3A_876 = arith.constant 7 : i32
    %get3A_877 = arith.index_cast %get3A_876 : i32 to index
    %get3A_878 = arith.index_cast %mul3A_875 : i32 to index
    %get3A_879 = tpu.vector_load %arg10[%get3A_877, %get3A_878] {strides = array<i32>} : memref<16x256xf32, #tpu.memory_space<vmem>>, vector<16xf32>,
    %add3A_880 = arith.addf %add3A_873, %get3A_879 : vector<16xf32>
    %mul3A_881 = arith.constant 16 : i32
    %mul3A_882 = arith.muli %arg1, %mul3A_881 : i32
    %get3A_883 = arith.constant 8 : i32
    %get3A_884 = arith.index_cast %get3A_883 : i32 to index
    %get3A_885 = arith.index_cast %mul3A_882 : i32 to index
    %get3A_886 = tpu.vector_load %arg10[%get3A_884, %get3A_885] {strides = array<i32>} : memref<16x256xf32, #tpu.memory_space<vmem>>, vector<16xf32>,
    %add3A_887 = arith.addf %add3A_880, %get3A_886 : vector<16xf32>
    %mul3A_888 = arith.constant 16 : i32
    %mul3A_889 = arith.muli %arg1, %mul3A_888 : i32
    %get3A_890 = arith.constant 9 : i32
    %get3A_891 = arith.index_cast %get3A_890 : i32 to index
    %get3A_892 = arith.index_cast %mul3A_889 : i32 to index
    %get3A_893 = tpu.vector_load %arg10[%get3A_891, %get3A_892] {strides = array<i32>} : memref<16x256xf32, #tpu.memory_space<vmem>>, vector<16xf32>,
    %add3A_894 = arith.addf %add3A_887, %get3A_893 : vector<16xf32>
    %mul3A_895 = arith.constant 16 : i32
    %mul3A_896 = arith.muli %arg1, %mul3A_895 : i32
    %get3A_897 = arith.constant 10 : i32
    %get3A_898 = arith.index_cast %get3A_897 : i32 to index
    %get3A_899 = arith.index_cast %mul3A_896 : i32 to index
    %get3A_900 = tpu.vector_load %arg10[%get3A_898, %get3A_899] {strides = array<i32>} : memref<16x256xf32, #tpu.memory_space<vmem>>, vector<16xf32>,
    %add3A_901 = arith.addf %add3A_894, %get3A_900 : vector<16xf32>
    %mul3A_902 = arith.constant 16 : i32
    %mul3A_903 = arith.muli %arg1, %mul3A_902 : i32
    %get3A_904 = arith.constant 11 : i32
    %get3A_905 = arith.index_cast %get3A_904 : i32 to index
    %get3A_906 = arith.index_cast %mul3A_903 : i32 to index
    %get3A_907 = tpu.vector_load %arg10[%get3A_905, %get3A_906] {strides = array<i32>} : memref<16x256xf32, #tpu.memory_space<vmem>>, vector<16xf32>,
    %add3A_908 = arith.addf %add3A_901, %get3A_907 : vector<16xf32>
    %mul3A_909 = arith.constant 16 : i32
    %mul3A_910 = arith.muli %arg1, %mul3A_909 : i32
    %get3A_911 = arith.constant 12 : i32
    %get3A_912 = arith.index_cast %get3A_911 : i32 to index
    %get3A_913 = arith.index_cast %mul3A_910 : i32 to index
    %get3A_914 = tpu.vector_load %arg10[%get3A_912, %get3A_913] {strides = array<i32>} : memref<16x256xf32, #tpu.memory_space<vmem>>, vector<16xf32>,
    %add3A_915 = arith.addf %add3A_908, %get3A_914 : vector<16xf32>
    %mul3A_916 = arith.constant 16 : i32
    %mul3A_917 = arith.muli %arg1, %mul3A_916 : i32
    %get3A_918 = arith.constant 13 : i32
    %get3A_919 = arith.index_cast %get3A_918 : i32 to index
    %get3A_920 = arith.index_cast %mul3A_917 : i32 to index
    %get3A_921 = tpu.vector_load %arg10[%get3A_919, %get3A_920] {strides = array<i32>} : memref<16x256xf32, #tpu.memory_space<vmem>>, vector<16xf32>,
    %add3A_922 = arith.addf %add3A_915, %get3A_921 : vector<16xf32>
    %mul3A_923 = arith.constant 16 : i32
    %mul3A_924 = arith.muli %arg1, %mul3A_923 : i32
    %get3A_925 = arith.constant 14 : i32
    %get3A_926 = arith.index_cast %get3A_925 : i32 to index
    %get3A_927 = arith.index_cast %mul3A_924 : i32 to index
    %get3A_928 = tpu.vector_load %arg10[%get3A_926, %get3A_927] {strides = array<i32>} : memref<16x256xf32, #tpu.memory_space<vmem>>, vector<16xf32>,
    %add3A_929 = arith.addf %add3A_922, %get3A_928 : vector<16xf32>
    %mul3A_930 = arith.constant 16 : i32
    %mul3A_931 = arith.muli %arg1, %mul3A_930 : i32
    %get3A_932 = arith.constant 15 : i32
    %get3A_933 = arith.index_cast %get3A_932 : i32 to index
    %get3A_934 = arith.index_cast %mul3A_931 : i32 to index
    %get3A_935 = tpu.vector_load %arg10[%get3A_933, %get3A_934] {strides = array<i32>} : memref<16x256xf32, #tpu.memory_space<vmem>>, vector<16xf32>,
    %add3A_936 = arith.addf %add3A_929, %get3A_935 : vector<16xf32>
    %swap3A_937 = arith.constant 0 : index
    %swap3A_938 = tpu.vector_load %arg8[%swap3A_937] {strides = array<i32>} : memref<256xf32, #tpu.memory_space<vmem>>, vector<16xf32>,
    tpu.vector_store %arg8[%swap3A_937], %add3A_936 {strides = array<i32>} : memref<256xf32, #tpu.memory_space<vmem>>, vector<16xf32>,
    %mul3A_939 = arith.constant 16 : i32
    %mul3A_940 = arith.muli %arg1, %mul3A_939 : i32
    "tpu.region"() ({
      %run_scoped3A = tpu.sem_alloc : memref<!tpu.dma_semaphore, #tpu.memory_space<semaphore_mem>>
      %dma_start3A_941 = arith.constant 0 : i32
      %dma_start3A_942 = tpu.memref_slice %arg8[%dma_start3A_941] : memref<256xf32, #tpu.memory_space<vmem>> -> memref<16xf32, #tpu.memory_space<vmem>>
      %dma_start3A_943 = tpu.memref_slice %arg4[%mul3A_940] : memref<256xf32, #tpu.memory_space<hbm>> -> memref<16xf32, #tpu.memory_space<hbm>>
      %dma_start3A_944 = tpu.memref_slice %arg4[%mul3A_940] : memref<256xf32, #tpu.memory_space<hbm>> -> memref<16xf32, #tpu.memory_space<hbm>>
      %dma_start3A_945 = arith.constant 0 : i32
      %dma_start3A_946 = tpu.memref_slice %arg8[%dma_start3A_945] : memref<256xf32, #tpu.memory_space<vmem>> -> memref<16xf32, #tpu.memory_space<vmem>>
      tpu.enqueue_dma source(%dma_start3A_946 : memref<16xf32, #tpu.memory_space<vmem>>) target(%dma_start3A_944 : memref<16xf32, #tpu.memory_space<hbm>>) target_semaphore(%run_scoped3A : memref<!tpu.dma_semaphore, #tpu.memory_space<semaphore_mem>>)
      %dma_wait3A_947 = arith.constant 0 : i32
      %dma_wait3A_948 = tpu.memref_slice %arg8[%dma_wait3A_947] : memref<256xf32, #tpu.memory_space<vmem>> -> memref<16xf32, #tpu.memory_space<vmem>>
      %dma_wait3A_949 = tpu.memref_slice %arg4[%mul3A_940] : memref<256xf32, #tpu.memory_space<hbm>> -> memref<16xf32, #tpu.memory_space<hbm>>
      %dma_wait3A_950 = tpu.memref_slice %arg4[%mul3A_940] : memref<256xf32, #tpu.memory_space<hbm>> -> memref<16xf32, #tpu.memory_space<hbm>>
      %dma_wait3A_951 = arith.constant 0 : i32
      %dma_wait3A_952 = tpu.memref_slice %arg8[%dma_wait3A_951] : memref<256xf32, #tpu.memory_space<vmem>> -> memref<16xf32, #tpu.memory_space<vmem>>
      tpu.wait_dma2 semaphore(%run_scoped3A : memref<!tpu.dma_semaphore, #tpu.memory_space<semaphore_mem>>) src(%dma_wait3A_952 : memref<16xf32, #tpu.memory_space<vmem>>) dst(%dma_wait3A_950 : memref<16xf32, #tpu.memory_space<hbm>>)
      tpu.yield
    }) : () -> ()
    return
  }
}

module attributes {stable_mosaic.version = 14 : i64} {
  func.func @_mlp_kernel(%arg0: i32, %arg1: memref<14336x128xf32, #tpu.memory_space<vmem>>, %arg2: memref<128x128xf32, #tpu.memory_space<vmem>>, %arg3: memref<1x128xf32, #tpu.memory_space<vmem>>, %arg4: memref<128x128xf32, #tpu.memory_space<vmem>>, %arg5: memref<1x128xf32, #tpu.memory_space<vmem>>, %arg6: memref<128x1xf32, #tpu.memory_space<vmem>>, %arg7: memref<1x1xf32, #tpu.memory_space<vmem>>, %arg8: memref<112x128xf32, #tpu.memory_space<vmem>>) attributes {dimension_semantics = [#tpu.dimension_semantics<arbitrary>], iteration_bounds = array<i64: 7>, scalar_prefetch = 0 : i64, scratch_operands = 0 : i64, tpu.core_type = #tpu.core_type<tc>, window_params = [{transform_indices = @transform_0, window_bounds = array<i64: 14336, 128>}, {pipeline_mode = #tpu.pipeline_mode<synchronous>, transform_indices = @transform_1, window_bounds = array<i64: 128, 128>}, {pipeline_mode = #tpu.pipeline_mode<synchronous>, transform_indices = @transform_2, window_bounds = array<i64: 1, 128>}, {pipeline_mode = #tpu.pipeline_mode<synchronous>, transform_indices = @transform_3, window_bounds = array<i64: 128, 128>}, {pipeline_mode = #tpu.pipeline_mode<synchronous>, transform_indices = @transform_4, window_bounds = array<i64: 1, 128>}, {pipeline_mode = #tpu.pipeline_mode<synchronous>, transform_indices = @transform_5, window_bounds = array<i64: 128, 1>}, {pipeline_mode = #tpu.pipeline_mode<synchronous>, transform_indices = @transform_6, window_bounds = array<i64: 1, 1>}, {transform_indices = @transform_7, window_bounds = array<i64: 112, 128>}]} {
    %get3A = arith.constant 0 : index
    %get3A_0 = arith.constant 0 : index
    %get3A_1 = vector.load %arg1[%get3A, %get3A_0] : memref<14336x128xf32, #tpu.memory_space<vmem>>, vector<14336x128xf32>
    %get3A_2 = arith.constant 0 : index
    %get3A_3 = arith.constant 0 : index
    %get3A_4 = vector.load %arg2[%get3A_2, %get3A_3] : memref<128x128xf32, #tpu.memory_space<vmem>>, vector<128x128xf32>
    %dot_general3A = arith.constant dense<0.000000e+00> : vector<14336x128xf32>
    %dot_general3A_5 = tpu.matmul %get3A_1, %get3A_4, %dot_general3A {dimension_numbers = #tpu.dot_dimension_numbers<[1], [0], [0], [1], [0, 0, 1, 1], [], []>, transpose_lhs_hint = false} : vector<14336x128xf32>, vector<128x128xf32>, vector<14336x128xf32> -> vector<14336x128xf32>
    %get3A_6 = arith.constant 0 : index
    %get3A_7 = arith.constant 0 : index
    %get3A_8 = vector.load %arg3[%get3A_6, %get3A_7] : memref<1x128xf32, #tpu.memory_space<vmem>>, vector<1x128xf32>
    %add3A = vector.broadcast %get3A_8 : vector<1x128xf32> to vector<14336x128xf32>
    %add3A_9 = arith.addf %dot_general3A_5, %add3A : vector<14336x128xf32>
    %max3A = arith.constant 0.000000e+00 : f32
    %max3A_10 = vector.broadcast %max3A : f32 to vector<14336x128xf32>
    %max3A_11 = arith.maximumf %add3A_9, %max3A_10 : vector<14336x128xf32>
    %get3A_12 = arith.constant 0 : index
    %get3A_13 = arith.constant 0 : index
    %get3A_14 = vector.load %arg4[%get3A_12, %get3A_13] : memref<128x128xf32, #tpu.memory_space<vmem>>, vector<128x128xf32>
    %dot_general3A_15 = arith.constant dense<0.000000e+00> : vector<14336x128xf32>
    %dot_general3A_16 = tpu.matmul %max3A_11, %get3A_14, %dot_general3A_15 {dimension_numbers = #tpu.dot_dimension_numbers<[1], [0], [0], [1], [0, 0, 1, 1], [], []>, transpose_lhs_hint = false} : vector<14336x128xf32>, vector<128x128xf32>, vector<14336x128xf32> -> vector<14336x128xf32>
    %get3A_17 = arith.constant 0 : index
    %get3A_18 = arith.constant 0 : index
    %get3A_19 = vector.load %arg5[%get3A_17, %get3A_18] : memref<1x128xf32, #tpu.memory_space<vmem>>, vector<1x128xf32>
    %add3A_20 = vector.broadcast %get3A_19 : vector<1x128xf32> to vector<14336x128xf32>
    %add3A_21 = arith.addf %dot_general3A_16, %add3A_20 : vector<14336x128xf32>
    %max3A_22 = arith.constant 0.000000e+00 : f32
    %max3A_23 = vector.broadcast %max3A_22 : f32 to vector<14336x128xf32>
    %max3A_24 = arith.maximumf %add3A_21, %max3A_23 : vector<14336x128xf32>
    %get3A_25 = arith.constant 0 : index
    %get3A_26 = arith.constant 0 : index
    %get3A_27 = vector.load %arg6[%get3A_25, %get3A_26] : memref<128x1xf32, #tpu.memory_space<vmem>>, vector<128x1xf32>
    %dot_general3A_28 = arith.constant dense<0.000000e+00> : vector<1x14336xf32>
    %dot_general3A_29 = tpu.matmul %get3A_27, %max3A_24, %dot_general3A_28 {dimension_numbers = #tpu.dot_dimension_numbers<[0], [1], [1], [0], [0, 1, 1, 0], [], []>, transpose_lhs_hint = false} : vector<128x1xf32>, vector<14336x128xf32>, vector<1x14336xf32> -> vector<1x14336xf32>
    %get3A_30 = arith.constant 0 : index
    %get3A_31 = arith.constant 0 : index
    %get3A_32 = vector.load %arg7[%get3A_30, %get3A_31] : memref<1x1xf32, #tpu.memory_space<vmem>>, vector<1x1xf32>
    %add3A_33 = vector.broadcast %get3A_32 : vector<1x1xf32> to vector<1x14336xf32>
    %add3A_34 = arith.addf %dot_general3A_29, %add3A_33 : vector<1x14336xf32>
    %mul3A = arith.constant 14336 : i32
    %mul3A_35 = arith.muli %arg0, %mul3A : i32
    %iota3A = tpu.iota {dimensions = array<i32: 1>} : vector<1x14336xi32>
    %add3A_36 = vector.broadcast %mul3A_35 : i32 to vector<1x14336xi32>
    %add3A_37 = arith.addi %add3A_36, %iota3A : vector<1x14336xi32>
    %lt3A = arith.constant 100000 : i32
    %lt3A_38 = vector.broadcast %lt3A : i32 to vector<1x14336xi32>
    %lt3A_39 = arith.cmpi slt, %add3A_37, %lt3A_38 : vector<1x14336xi32>
    %jit3A = arith.constant 0.000000e+00 : f32
    %broadcast_in_dim3A = vector.broadcast %jit3A : f32 to vector<1x14336xf32>
    %select_n3A = arith.select %lt3A_39, %add3A_34, %broadcast_in_dim3A : vector<1x14336xi1>, vector<1x14336xf32>
    %reshape3A = vector.shape_cast %select_n3A : vector<1x14336xf32> to vector<112x128xf32>
    %swap3A = arith.constant 0 : index
    %swap3A_40 = arith.constant 0 : index
    %swap3A_41 = vector.load %arg8[%swap3A, %swap3A_40] : memref<112x128xf32, #tpu.memory_space<vmem>>, vector<112x128xf32>
    tpu.vector_store %arg8[%swap3A, %swap3A_40], %reshape3A {strides = array<i32>} : memref<112x128xf32, #tpu.memory_space<vmem>>, vector<112x128xf32>,
    return
  }
  func.func @transform_0(%arg0: i32) -> (i32, i32) {
    %c0_i32 = arith.constant 0 : i32
    %c0_i32_0 = arith.constant 0 : i32
    return %arg0, %c0_i32 : i32, i32
  }
  func.func @transform_1(%arg0: i32) -> (i32, i32) {
    %c0_i32 = arith.constant 0 : i32
    %c0_i32_0 = arith.constant 0 : i32
    %c0_i32_1 = arith.constant 0 : i32
    return %c0_i32, %c0_i32_0 : i32, i32
  }
  func.func @transform_2(%arg0: i32) -> (i32, i32) {
    %c0_i32 = arith.constant 0 : i32
    %c0_i32_0 = arith.constant 0 : i32
    %c0_i32_1 = arith.constant 0 : i32
    return %c0_i32, %c0_i32_0 : i32, i32
  }
  func.func @transform_3(%arg0: i32) -> (i32, i32) {
    %c0_i32 = arith.constant 0 : i32
    %c0_i32_0 = arith.constant 0 : i32
    %c0_i32_1 = arith.constant 0 : i32
    return %c0_i32, %c0_i32_0 : i32, i32
  }
  func.func @transform_4(%arg0: i32) -> (i32, i32) {
    %c0_i32 = arith.constant 0 : i32
    %c0_i32_0 = arith.constant 0 : i32
    %c0_i32_1 = arith.constant 0 : i32
    return %c0_i32, %c0_i32_0 : i32, i32
  }
  func.func @transform_5(%arg0: i32) -> (i32, i32) {
    %c0_i32 = arith.constant 0 : i32
    %c0_i32_0 = arith.constant 0 : i32
    %c0_i32_1 = arith.constant 0 : i32
    return %c0_i32, %c0_i32_0 : i32, i32
  }
  func.func @transform_6(%arg0: i32) -> (i32, i32) {
    %c0_i32 = arith.constant 0 : i32
    %c0_i32_0 = arith.constant 0 : i32
    %c0_i32_1 = arith.constant 0 : i32
    return %c0_i32, %c0_i32_0 : i32, i32
  }
  func.func @transform_7(%arg0: i32) -> (i32, i32) {
    %c0_i32 = arith.constant 0 : i32
    %c0_i32_0 = arith.constant 0 : i32
    return %arg0, %c0_i32 : i32, i32
  }
}

</mosaic_0001>

<sc_bundles>
// kernel: kernel.4.cloned.1.call-start
scs
__scs_entry_jumppad:
0x0: {  	(pc) =	sbr.rel $0x88, $3  }
0x1: {  	(tag) =	ssettag $0x0;
	lr =	simm.s32 $0x1  }
0x2: {  	[smem:$0x3F99] =	sst lr;
	_ =	strace $0xD0000000  }
0x3: {  	_ = 	snop  }
0x4: {  	_ = 	snop  }
0x5: {  	_ = 	snop  }
0x6: {  	_ = 	snop  }
0x7: {  	_ = 	snop  }
__scs_overlays_trampoline_lowered:
0x8: {  	[smem:$0x3FA8] =	sst s0  }
0x9: {  	[smem:$0x3FA9] =	sst s1  }
0xa: {  	[smem:$0x3FAA] =	sst s2  }
0xb: {  	[smem:$0x3FAB] =	sst s3  }
0xc: {  	[smem:$0x3FAC] =	sst s4  }
0xd: {  	[smem:$0x3FAD] =	sst s5  }
0xe: {  	[smem:$0x3FAE] =	sst s6  }
0xf: {  	[smem:$0x3FAF] =	sst s7  }
0x10: {  	[smem:$0x3FB0] =	sst s8  }
0x11: {  	[smem:$0x3FB1] =	sst s9;
	s0 =	simm.s32 @!p0 $0x0  }
0x12: {  	s1 =	sld [smem:$0x3F97];
	s0 =	simm.s32 @p0 $0x1  }
0x13: {  	[smem:$0x3FB2] =	sst s0;
	s0 =	simm.s32 @!p1 $0x0  }
0x14: {  	s2 =	sld [smem:$0x3F96];
	s0 =	simm.s32 @p1 $0x1  }
0x15: {  	[smem:$0x3FB3] =	sst s0;
	s0 =	simm.s32 @!p2 $0x0  }
0x16: {  	s3 =	sld [smem:$0x3FDB];
	s0 =	simm.s32 @p2 $0x1  }
0x17: {  	s4 =	simm.s32 $0x1BF5;
	[smem:$0x3FB5] =	sst s0  }
0x18: {  	s0 =	sld [smem:$0x3F98];
	_ =	swait.ge [sflag:s4], $0x0  }
0x19: {  	s7 =	sld [smem:$0x3F99]  }
0x1a: {  	s8 =	sadd.s32 $0xFFFFE003, lr  }
0x1b: {  	s9 =	sadd.s32 $0xFFFFFEF7, lr;
	s5 =	simm.s32 $0xFFFFFFFF;
	p2 =	slt.u32 s8, $0xFFFFF086  }
0x1c: {  	p1 =	slt.u32 s9, $0xF7A;
	s5 =	simm.s32 @!p2 $0x0  }
0x1d: {  	s5 =	simm.s32 @p1 $0x1;
	p0 =	seq.s32 s7, s2  }
0x1e: {  	s7 =	smul.u32 @!p0 $0xF7A, s2;
	p2 =	seq.s32 @!p0 s5, $0x0  }
0x1f: {  	s9 =	smul.u32 $0xF7A, s1;
	s8 =	simm.s32 @!p0 $0x1BF5;
	p2 =	por !p2, p0  }
0x20: {  	[sflag:s8] =	ssyncset.s32 @!p0 $0xFFFFF086;
	s6 =	sadd.s32 @!p0 s3, s7;
	s7 =	simm.s32 @!p0 $0x108  }
0x21: {  	s3 =	sadd.s32 s3, s9;
	s6 =	sadd.s32 @!p0 $0x88, s6;
	s7 =	simm.s32 @p2 $0x1082  }
0x22: {  	[simem:s7], [sflag:s8] =	dma.local @!p0 [hbm:s6], $0xF7A  }
0x23: {  	s9 =	sor.u32 $0xD0000000, s2;
	s6 =	simm.s32 $0x108;
	_ =	swait.ge @!p0 [sflag:s8], $0x0  }
0x24: {  	s3 =	sadd.s32 $0x88, s3;
	s6 =	simm.s32 @!p1 $0x1082;
	[sflag:s4] =	ssyncset.s32 $0xFFFFF086  }
0x25: {  	[simem:s6], [sflag:s4] =	dma.local [hbm:s3], $0xF7A  }
0x26: {  	[smem:$0x3F99] =	sst s1;
	(tag) =	ssettag s2;
	_ =	strace s9  }
0x27: {  	s1 =	sld [smem:$0x3FA9]  }
0x28: {  	s2 =	sld [smem:$0x3FAA]  }
0x29: {  	s4 =	sld [smem:$0x3FAC]  }
0x2a: {  	p0 =	seq.s32 s5, $0x0;
	s5 =	sld [smem:$0x3FAD]  }
0x2b: {  	s6 =	sld [smem:$0x3FAE]  }
0x2c: {  	s7 =	sld [smem:$0x3FAF]  }
0x2d: {  	s3 =	simm.s32 $0x108;
	s8 =	sld [smem:$0x3FB0]  }
0x2e: {  	s3 =	simm.s32 @!p0 $0x1082;
	s9 =	sld [smem:$0x3FB1]  }
0x2f: {  	lr =	sadd.s32 s0, s3;
	s0 =	sld [smem:$0x3FA8]  }
0x30: {  	s3 =	sld [smem:$0x3FAB]  }
0x31: {  	[smem:$0x3FB4] =	sst s10  }
0x32: {  	s10 =	sld [smem:$0x3FB2];
	_ =	sdelay $0x3  }
0x33: {  	p0 =	seq.s32 s10, $0x1;
	s10 =	sld [smem:$0x3FB4];
	_ =	sdelay $0x3  }
0x34: {  	[smem:$0x3FB4] =	sst s10  }
0x35: {  	s10 =	sld [smem:$0x3FB3];
	_ =	sdelay $0x3  }
0x36: {  	p1 =	seq.s32 s10, $0x1;
	s10 =	sld [smem:$0x3FB4];
	_ =	sdelay $0x3  }
0x37: {  	[smem:$0x3FB4] =	sst s10  }
0x38: {  	s10 =	sld [smem:$0x3FB5]  }
0x39: {  	_ = 	snop;
	(pc) =	sbr.ind lr, $3  }
0x3a: {  	_ = 	snop  }
0x3b: {  	_ = 	snop  }
0x3c: {  	p2 =	seq.s32 s10, $0x1;
	s10 =	sld [smem:$0x3FB4]  }
0x3d: {  	_ =	shalt  }
0x3e: {  	_ =	shalt  }
0x3f: {  	_ =	shalt  }
0x40: {  	_ =	shalt  }
0x41: {  	_ =	shalt  }
0x42: {  	_ =	shalt  }
0x43: {  	_ =	shalt  }
0x44: {  	_ =	shalt  }
0x45: {  	_ =	shalt  }
0x46: {  	_ =	shalt  }
0x47: {  	_ =	shalt  }
0x48: {  	_ =	shalt  }
0x49: {  	_ =	shalt  }
0x4a: {  	_ =	shalt  }
0x4b: {  	_ =	shalt  }
0x4c: {  	_ =	shalt  }
0x4d: {  	_ =	shalt  }
0x4e: {  	_ =	shalt  }
0x4f: {  	_ =	shalt  }
0x50: {  	_ =	shalt  }
0x51: {  	_ =	shalt  }
0x52: {  	_ =	shalt  }
0x53: {  	_ =	shalt  }
0x54: {  	_ =	shalt  }
0x55: {  	_ =	shalt  }
0x56: {  	_ =	shalt  }
0x57: {  	_ =	shalt  }
0x58: {  	_ =	shalt  }
0x59: {  	_ =	shalt  }
0x5a: {  	_ =	shalt  }
0x5b: {  	_ =	shalt  }
0x5c: {  	_ =	shalt  }
0x5d: {  	_ =	shalt  }
0x5e: {  	_ =	shalt  }
0x5f: {  	_ =	shalt  }
0x60: {  	_ =	shalt  }
0x61: {  	_ =	shalt  }
0x62: {  	_ =	shalt  }
0x63: {  	_ =	shalt  }
0x64: {  	_ =	shalt  }
0x65: {  	_ =	shalt  }
0x66: {  	_ =	shalt  }
0x67: {  	_ =	shalt  }
0x68: {  	_ =	shalt  }
0x69: {  	_ =	shalt  }
0x6a: {  	_ =	shalt  }
0x6b: {  	_ =	shalt  }
0x6c: {  	_ =	shalt  }
0x6d: {  	_ =	shalt  }
0x6e: {  	_ =	shalt  }
0x6f: {  	_ =	shalt  }
0x70: {  	_ =	shalt  }
0x71: {  	_ =	shalt  }
0x72: {  	_ =	shalt  }
0x73: {  	_ =	shalt  }
0x74: {  	_ =	shalt  }
0x75: {  	_ =	shalt  }
0x76: {  	_ =	shalt  }
0x77: {  	_ =	shalt  }
0x78: {  	_ =	shalt  }
0x79: {  	_ =	shalt  }
0x7a: {  	_ =	shalt  }
0x7b: {  	_ =	shalt  }
0x7c: {  	_ =	shalt  }
0x7d: {  	_ =	shalt  }
0x7e: {  	_ =	shalt  }
0x7f: {  	_ =	shalt  }
0x80: {  	_ =	shalt  }
0x81: {  	_ =	shalt  }
0x82: {  	_ =	shalt  }
0x83: {  	_ =	shalt  }
0x84: {  	_ =	shalt  }
0x85: {  	_ =	shalt  }
0x86: {  	_ =	shalt  }
0x87: {  	_ =	shalt  }
.Lfunc_end0:
.L_simem_size_0:
called_computation_lowered:
.L_overlay_start_0:
0x88: {  	s0 =	sld [smem:$0x3FD9]  }
0x89: {  	s1 =	sld [smem:$0x3FFE];
	_ =	sdelay $0x3  }
0x8a: {  	s0 =	sadd.s32 s1, s0  }
0x8b: {  	[smem:$0x3FC0] =	sst s0  }
0x8c: {  	_ = 	snop  }
0x8d: {  	s0 =	sld [smem:$0x3FC8]  }
0x8e: {  	s16 =	sld [smem:$0x3FD0];
	(tm) =	ssettm $0x1  }
0x8f: {  	s2 =	sld [smem:$0x3FFB];
	_ =	sdelay $0x3  }
0x90: {  	_ =	strace s2  }
0x91: {  	s2 =	sld [smem:$0x3FFC];
	_ =	sdelay $0x3  }
0x92: {  	_ =	strace s2  }
0x93: {  	s2 =	sld [smem:$0x3FFD];
	_ =	sdelay $0x3  }
0x94: {  	_ =	strace s2  }
0x95: {  	_ =	strace $0x8FFFFFFF  }
0x96: {  	s17 =	sld [smem:$0x3FDB];
	_ =	sdelay $0x1  }
0x97: {  	s3 =	simm.s32 $_scs_section_size  }
0x98: {  	s4 =	simm.s32 $_size__tile_overlayer_lowered;
	s5 =	simm.s32 $_tile_overlayer_lowered  }
0x99: {  	s20 =	simm.s32 $0x1BFF;
	s19 =	sshll.u32 s5, $0x1;
	s2 =	sadd.s32 s3, s17  }
0x9a: {  	s6 =	simm.s32 $0x0;
	s18 =	sshll.u32 s4, $0x1;
	s4 =	sadd.s32 s19, s2  }
0x9b: {  	[timem:s6], [sflag:s20] =	dma.local [hbm:s4], s18  }
0x9c: {  	_ =	swait.ge [sflag:s20], s18  }
0x9d: {  	s3 =	ssub.s32 $0x0, s18;
	[sflag:s20] =	ssyncset.done $0x0  }
0x9e: {  	[sflag:s20] =	ssyncadd.s32 s3;
	_ =	sdelay $0x1  }
0x9f: {  	s21 =	simm.s32 $0x1B8B  }
0xa0: {  	_ =	swait.ge [sflag:s21], $0x1  }
0xa1: {  	[sflag:s21] =	ssyncset.done $0x0  }
0xa2: {  	s23 =	simm.s32 $0x1B8E;
	s22 =	sld [smem:$0x3FFE];
	[sflag:s21] =	ssyncadd.s32 $0xFFFFFFFF  }
0xa3: {  	s24 =	simm.s32 $execute0_lowered;
	[smem:$0x3FD2] =	sst s23  }
0xa4: {  	s4 =	sshll.u32 s24, $0x1;
	_ =	strace $0x80000046;
	[dreg:$0x1] =	wrdreg $0xFFFFFFFF  }
0xa5: {  	s25 =	simm.s32 $_size_execute0_lowered;
	s2 =	sadd.s32 s2, s4;
	[dreg:$0x0] =	wrdreg $0x0  }
0xa6: {  	s4 =	sshll.u32 s25, $0x1;
	[dreg:$0x2] =	wrdreg s2  }
0xa7: {  	[dreg:$0x3] =	wrdreg s4  }
0xa8: {  	[dreg:$0x4] =	wrdreg $0xC0  }
0xa9: {  	_ =	task [dreg:s6], $0x5FFFF  }
0xaa: {  	[dreg:$0x1] =	wrdreg $0xFFFFFFFF  }
0xab: {  	[dreg:$0x0] =	wrdreg $0x60  }
0xac: {  	[dreg:$0x2] =	wrdreg s22  }
0xad: {  	[dreg:$0x3] =	wrdreg s0  }
0xae: {  	[dreg:$0x4] =	wrdreg s16  }
0xaf: {  	[dreg:$0x5] =	wrdreg $0x42800  }
0xb0: {  	[dreg:$0x6] =	wrdreg $0x9  }
0xb1: {  	_ =	task.clear_ibuf [dreg:s6], $0x7FFFF;
	_ =	strace $0x90000046  }
0xb2: {  	s26 =	simm.s32 $0x9;
	_ =	strace $0x80000048  }
0xb3: {  	_ =	swait.ge [sflag:s26], $0x1  }
0xb4: {  	[sflag:s26] =	ssyncadd.s32 $0xFFFFFFFF  }
0xb5: {  	_ =	strace $0x90000048  }
0xb6: {  	_ =	sfence  }
0xb7: {  	s28 =	sld [smem:$0x0];
	_ =	sdelay $0x1  }
0xb8: {  	s29 =	srdreg.scid  }
0xb9: {  	s30 =	sshll.u32 s29, $0xD;
	s31 =	sshrl.u32 s29, $0x2  }
0xba: {  	s1 =	sand.u32 $0x1, s29;
	s2 =	sand.u32 $0x4000, s30;
	s0 =	sadd.s32 s31, s28  }
0xbb: {  	s1 =	sor.u32 s2, s1;
	s0 =	sshll.u32 s0, $0x11  }
0xbc: {  	s0 =	sor.u32 s0, s1  }
0xbd: {  	s0 =	sadd.s32 $0x8F2B, s0  }
0xbe: {  	[sflag:s0] =	ssyncadd.remote.s32 $0x1  }
0xbf: {  	_ =	sfence.sel $0xFFFF  }
0xc0: {  	[dreg:$0x0] =	wrdreg $0xFFFFFFFF;
	(pc) =	sbr.abs _section_cstart, $3  }
0xc1: {  	[dreg:$0x1] =	wrdreg $0xFFFFFFFF  }
0xc2: {  	_ =	task.clear_ibuf [dreg:s6], $0x2FFFF;
	_ =	strace $0x9FFFFFFF  }
0xc3: {  	(tm) =	ssettm $0x7FFFFFFF  }
tec
execute0_lowered:
.L_overlay_start_1:
0x0: {  	(tag) =	ssettag $0x1  }
0x1: {  	s3 =	rddreg [dreg:$0x0]  }
0x2: {  	s4 =	rddreg [dreg:$0x1]  }
0x3: {  	s9 =	rddreg [dreg:$0x2];
	s1 =	stileid.u32  }
0x4: {  	s2 =	rddreg [dreg:$0x3];
	s6 =	smul.u32 $0x310, s1  }
0x5: {  	s0 =	rddreg [dreg:$0x4];
	s5 =	simm.s32 $0x0  }
0x6: {  	s7 =	simm.s32 $0x1880;
	[smem:$0x7FF] =	sst s5;
	s3 =	sadd.s32 s6, s3  }
0x7: {  	p0 =	seq.s32 s1, $0xF;
	_ =	strace $0x80000047;
	s3 =	sadd.s32 $0xE00, s3  }
0x8: {  	[tilespmem:s7], [sflag:$0x1] =	stream.linear.gather [hbm4b:s3+s5], $0x1880, $0x38;
	[tilespmem:$0x5380] =	vst v63  }
0x9: {  	s3 =	sadd.s32 @p0 $0x2DF0, s4;
	s5 =	simm.s32 @p0 $0x0  }
0xa: {  	[tilespmem:s5], [sflag:$0x2] =	stream.linear.gather @p0 [hbm4b:s3+s5], $0x1720, $0x38;
	[tilespmem:$0x5380] =	vst v63  }
0xb: {  	s3 =	simm.s32 @p0 $0x2  }
0xc: {  	_ =	swait.ge @p0 [sflag:s3], $0x1720  }
0xd: {  	[sflag:s3] =	ssyncset.done @p0 $0x0  }
0xe: {  	v0 =	vimm.s32 @p0 $0xFF;
	[sflag:s3] =	ssyncadd.s32 @p0 $0xFFFFE8E0  }
0xf: {  	[tilespmem:$0x1720] =	vst @p0 v0  }
0x10: {  	[tilespmem:$0x1730] =	vst @p0 v0  }
0x11: {  	[tilespmem:$0x1740] =	vst @p0 v0  }
0x12: {  	[tilespmem:$0x1750] =	vst @p0 v0  }
0x13: {  	[tilespmem:$0x1760] =	vst @p0 v0  }
0x14: {  	[tilespmem:$0x1770] =	vst @p0 v0  }
0x15: {  	[tilespmem:$0x1780] =	vst @p0 v0  }
0x16: {  	[tilespmem:$0x1790] =	vst @p0 v0  }
0x17: {  	[tilespmem:$0x17A0] =	vst @p0 v0  }
0x18: {  	[tilespmem:$0x17B0] =	vst @p0 v0  }
0x19: {  	[tilespmem:$0x17C0] =	vst @p0 v0  }
0x1a: {  	[tilespmem:$0x17D0] =	vst @p0 v0  }
0x1b: {  	[tilespmem:$0x17E0] =	vst @p0 v0  }
0x1c: {  	[tilespmem:$0x17F0] =	vst @p0 v0  }
0x1d: {  	[tilespmem:$0x1800] =	vst @p0 v0  }
0x1e: {  	[tilespmem:$0x1810] =	vst @p0 v0  }
0x1f: {  	[tilespmem:$0x1820] =	vst @p0 v0  }
0x20: {  	[tilespmem:$0x1830] =	vst @p0 v0  }
0x21: {  	s28 =	sshll.u32 s1, $0x8;
	[tilespmem:$0x1840] =	vst @p0 v0  }
0x22: {  	s29 =	sshll.u32 s1, $0x7;
	s30 =	sshll.u32 s1, $0x4;
	s31 =	sshll.u32 s1, $0x1;
	[tilespmem:$0x1850] =	vst @p0 v0  }
0x23: {  	s8 =	sand.u32 $0x380, s29;
	s7 =	sor.u32 s29, s30;
	s3 =	sand.u32 $0x800, s28;
	[tilespmem:$0x1860] =	vst @p0 v0  }
0x24: {  	s4 =	sadd.s32 @!p0 s4, s6;
	s5 =	simm.s32 @!p0 $0x0;
	s10 =	sadd.s32 s3, s2;
	[tilespmem:$0x1870] =	vst @p0 v0  }
0x25: {  	[tilespmem:s5], [sflag:$0x2] =	stream.linear.gather @!p0 [hbm4b:s4+s5], $0x1880, $0x38;
	[tilespmem:$0x5380] =	vst v63  }
0x26: {  	s3 =	sand.u32 $0x470, s7;
	s8 =	sadd.s32 s8, s10;
	s10 =	simm.s32 @!p0 $0x2  }
0x27: {  	s6 =	sor.u32 $0x380, s7;
	s5 =	sor.u32 $0x4380, s3;
	_ =	swait.ge @!p0 [sflag:s10], $0x1880  }
0x28: {  	s7 =	sor.u32 $0x4B80, s3;
	s4 =	sadd.s32 s9, s31;
	[sflag:s10] =	ssyncset.done @!p0 $0x0  }
0x29: {  	v0 =	vimm.f32 $0.0e+00;
	s9 =	simm.s32 $0x0;
	[sflag:s10] =	ssyncadd.s32 @!p0 $0xFFFFE780;
	s10 =	simm.s32 $0x100  }
.LBB2_1:
0x2a: {  	p0 =	sne.s32 s10, $0x4000;
	[tilespmem:s9+$0x3130] =	vst v0;
	s11 =	smov.u32 s10;
	s10 =	sadd.s32 $0x100, s10  }
.Ltmp0:
0x2b: {  	[tilespmem:s9+$0x3120] =	vst v0;
	(pc) =	sbr.rel @p0 .LBB2_1-.Ltmp0, $3  }
0x2c: {  	[tilespmem:s9+$0x3100] =	vst v0  }
0x2d: {  	[tilespmem:s9+$0x3110] =	vst v0;
	_ =	sdelay $0x1  }
0x2e: {  	s9 =	sshra.s32 s11, $0x2  }
0x2f: {  	[tilespmem:s9+$0x3130] =	vst v0  }
0x30: {  	[tilespmem:s9+$0x3120] =	vst v0  }
0x31: {  	[tilespmem:s9+$0x3100] =	vst v0  }
0x32: {  	[tilespmem:s9+$0x3110] =	vst v0;
	s31 =	simm.s32 $0x1  }
0x33: {  	_ =	swait.ge [sflag:s31], $0x1880  }
0x34: {  	v0 =	vlaneseq.u32;
	[sflag:s31] =	ssyncset.done $0x0  }
0x35: {  	s9 =	simm.s32 $0x0;
	s10 =	simm.s32 $0x3100;
	v0 =	vmul.u32 $0x101, v0;
	[sflag:s31] =	ssyncadd.s32 $0xFFFFE780  }
.LBB2_3:
0x36: {  	s11 =	sshra.s32 s9, $0x2  }
0x37: {  	v1 =	vld [tilespmem:s11+$0x0];
	_ =	sdelay $0x4  }
0x38: {  	v2 =	vld [tilespmem:s11+$0x1880];
	v1 =	vadd.s32 v0, v1;
	_ =	sdelay $0x4  }
0x39: {  	[tilespmem:v1+s10+$0x0] =	vst.idx.add.f32.msk $0xffff, v2  }
0x3a: {  	v1 =	vld [tilespmem:s11+$0x10];
	_ =	sdelay $0x4  }
0x3b: {  	v2 =	vld [tilespmem:s11+$0x1890];
	v1 =	vadd.s32 v0, v1;
	_ =	sdelay $0x4  }
0x3c: {  	[tilespmem:v1+s10+$0x0] =	vst.idx.add.f32.msk $0xffff, v2  }
0x3d: {  	v1 =	vld [tilespmem:s11+$0x20];
	_ =	sdelay $0x4  }
0x3e: {  	v2 =	vld [tilespmem:s11+$0x18A0];
	v1 =	vadd.s32 v0, v1;
	_ =	sdelay $0x4  }
0x3f: {  	[tilespmem:v1+s10+$0x0] =	vst.idx.add.f32.msk $0xffff, v2  }
0x40: {  	v1 =	vld [tilespmem:s11+$0x30];
	_ =	sdelay $0x4  }
0x41: {  	p0 =	sne.s32 s9, $0x6100;
	v2 =	vld [tilespmem:s11+$0x18B0];
	v1 =	vadd.s32 v0, v1  }
.Ltmp1:
0x42: {  	_ = 	snop;
	(pc) =	sbr.rel @p0 .LBB2_3-.Ltmp1, $2  }
0x43: {  	_ =	sdelay $0x2  }
0x44: {  	s9 =	sadd.s32 $0x100, s9;
	[tilespmem:v1+s10+$0x0] =	vst.idx.add.f32.msk $0xffff, v2  }
0x45: {  	v21 =	vld [tilespmem:$0x3100]  }
0x46: {  	v24 =	vld [tilespmem:$0x3201]  }
0x47: {  	v30 =	vld [tilespmem:$0x3302]  }
0x48: {  	v35 =	vld [tilespmem:$0x3403]  }
0x49: {  	v41 =	vld [tilespmem:$0x3504]  }
0x4a: {  	v50 =	vld [tilespmem:$0x3605]  }
0x4b: {  	v56 =	vld [tilespmem:$0x3706]  }
0x4c: {  	v0 =	vld [tilespmem:$0x3807]  }
0x4d: {  	v57 =	vld [tilespmem:$0x3908]  }
0x4e: {  	v58 =	vld [tilespmem:$0x3A09]  }
0x4f: {  	v59 =	vld [tilespmem:$0x3B0A]  }
0x50: {  	v60 =	vld [tilespmem:$0x3C0B]  }
0x51: {  	v61 =	vld [tilespmem:$0x3D0C]  }
0x52: {  	v62 =	vld [tilespmem:$0x3E0D]  }
0x53: {  	v63 =	vld [tilespmem:$0x3F0E]  }
0x54: {  	v4 =	vld [tilespmem:$0x400F]  }
0x55: {  	v9 =	vld [tilespmem:$0x3110]  }
0x56: {  	v11 =	vld [tilespmem:$0x3211]  }
0x57: {  	v16 =	vld [tilespmem:$0x3312]  }
0x58: {  	v19 =	vld [tilespmem:$0x3413]  }
0x59: {  	v27 =	vld [tilespmem:$0x3514]  }
0x5a: {  	v33 =	vld [tilespmem:$0x3615]  }
0x5b: {  	v38 =	vld [tilespmem:$0x3716]  }
0x5c: {  	v44 =	vld [tilespmem:$0x3817]  }
0x5d: {  	v52 =	vld [tilespmem:$0x3918]  }
0x5e: {  	v5 =	vld [tilespmem:$0x3B1A]  }
0x5f: {  	v6 =	vld [tilespmem:$0x3C1B]  }
0x60: {  	v7 =	vld [tilespmem:$0x3D1C]  }
0x61: {  	v8 =	vld [tilespmem:$0x3E1D]  }
0x62: {  	v10 =	vld [tilespmem:$0x3F1E]  }
0x63: {  	v12 =	vld [tilespmem:$0x401F]  }
0x64: {  	v3 =	vld [tilespmem:$0x3120]  }
0x65: {  	v14 =	vld [tilespmem:$0x3524]  }
0x66: {  	v18 =	vld [tilespmem:$0x3625]  }
0x67: {  	v23 =	vld [tilespmem:$0x3726]  }
0x68: {  	v29 =	vld [tilespmem:$0x3827]  }
0x69: {  	v36 =	vld [tilespmem:$0x3928]  }
0x6a: {  	v43 =	vld [tilespmem:$0x3A29]  }
0x6b: {  	v49 =	vld [tilespmem:$0x3B2A]  }
0x6c: {  	v13 =	vld [tilespmem:$0x3D2C]  }
0x6d: {  	v15 =	vld [tilespmem:$0x3E2D]  }
0x6e: {  	v17 =	vld [tilespmem:$0x3F2E]  }
0x6f: {  	v20 =	vld [tilespmem:$0x402F]  }
0x70: {  	v1 =	vld [tilespmem:$0x3231]  }
0x71: {  	v2 =	vld [tilespmem:$0x3332]  }
0x72: {  	v25 =	vld [tilespmem:$0x3A39]  }
0x73: {  	v31 =	vld [tilespmem:$0x3B3A]  }
0x74: {  	v37 =	vld [tilespmem:$0x3C3B]  }
0x75: {  	v46 =	vld [tilespmem:$0x3D3C]  }
0x76: {  	v53 =	vld [tilespmem:$0x3E3D]  }
0x77: {  	v22 =	vld [tilespmem:$0x3241]  }
0x78: {  	v26 =	vld [tilespmem:$0x3342]  }
0x79: {  	v28 =	vld [tilespmem:$0x3443]  }
0x7a: {  	v32 =	vld [tilespmem:$0x3544]  }
0x7b: {  	v34 =	vld [tilespmem:$0x3645]  }
0x7c: {  	v39 =	vld [tilespmem:$0x3746]  }
0x7d: {  	v40 =	vld [tilespmem:$0x3847]  }
0x7e: {  	v42 =	vld [tilespmem:$0x3948]  }
0x7f: {  	v45 =	vld [tilespmem:$0x3A49]  }
0x80: {  	v47 =	vld [tilespmem:$0x3B4A]  }
0x81: {  	v48 =	vld [tilespmem:$0x3C4B]  }
0x82: {  	v51 =	vld [tilespmem:$0x3D4C]  }
0x83: {  	v54 =	vld [tilespmem:$0x3E4D]  }
0x84: {  	v55 =	vld [tilespmem:$0x3F4E]  }
0x85: {  	[tilespmem:$0x1FB10] =	vst v59;
	v59 =	vld [tilespmem:$0x3A19]  }
0x86: {  	[tilespmem:$0x1FB20] =	vst v5;
	v5 =	vld [tilespmem:$0x3221]  }
0x87: {  	[tilespmem:$0x1FB60] =	vst v7;
	v7 =	vld [tilespmem:$0x3322]  }
0x88: {  	[tilespmem:$0x1FBC0] =	vst v10;
	v10 =	vld [tilespmem:$0x3423]  }
0x89: {  	[tilespmem:$0x1FAF0] =	vst v57;
	v57 =	vld [tilespmem:$0x3C2B]  }
0x8a: {  	[tilespmem:$0x1FAE0] =	vst v0;
	v0 =	vld [tilespmem:$0x3130]  }
0x8b: {  	[tilespmem:$0x1FB70] =	vst v62;
	v62 =	vld [tilespmem:$0x3453]  }
0x8c: {  	[tilespmem:$0x1FBD0] =	vst v4;
	v4 =	vld [tilespmem:$0x3433]  }
0x8d: {  	[tilespmem:$0x1FB40] =	vst v6;
	v6 =	vld [tilespmem:$0x3534]  }
0x8e: {  	[tilespmem:$0x1FB90] =	vst v8;
	v8 =	vld [tilespmem:$0x3635]  }
0x8f: {  	[tilespmem:$0x1FBF0] =	vst v12;
	v12 =	vld [tilespmem:$0x3736]  }
0x90: {  	[tilespmem:$0x1FC50] =	vst v62;
	v62 =	vld [tilespmem:$0x3867]  }
0x91: {  	[tilespmem:$0x1FBB0] =	vst v15;
	v15 =	vld [tilespmem:$0x3837]  }
0x92: {  	[tilespmem:$0x1FC00] =	vst v20;
	v20 =	vld [tilespmem:$0x3938]  }
0x93: {  	[tilespmem:$0x1FB30] =	vst v60;
	v60 =	vld [tilespmem:$0x3F3E]  }
0x94: {  	[tilespmem:$0x1FB80] =	vst v13;
	v13 =	vld [tilespmem:$0x403F]  }
0x95: {  	[tilespmem:$0x1FD00] =	vst v62;
	v62 =	vld [tilespmem:$0x3A79]  }
0x96: {  	[tilespmem:$0x1FB50] =	vst v61;
	v61 =	vld [tilespmem:$0x3140]  }
0x97: {  	[tilespmem:$0x1FB00] =	vst v58;
	v58 =	vld [tilespmem:$0x404F]  }
0x98: {  	[tilespmem:$0x1FCF0] =	vst v42;
	v42 =	vld [tilespmem:$0x3150]  }
0x99: {  	[tilespmem:$0x1FD90] =	vst v48;
	v48 =	vld [tilespmem:$0x3251]  }
0x9a: {  	[tilespmem:$0x1FD80] =	vst v62;
	v62 =	vld [tilespmem:$0x3B7A]  }
0x9b: {  	[tilespmem:$0x1FE50] =	vst v55;
	v55 =	vld [tilespmem:$0x3352]  }
0x9c: {  	[tilespmem:$0x1FBA0] =	vst v63;
	v63 =	vld [tilespmem:$0x3554]  }
0x9d: {  	[tilespmem:$0x1FBE0] =	vst v17;
	v17 =	vld [tilespmem:$0x3655]  }
0x9e: {  	[tilespmem:$0x1FC20] =	vst v22;
	v22 =	vld [tilespmem:$0x3756]  }
0x9f: {  	[tilespmem:$0x1FDC0] =	vst v62;
	v62 =	vld [tilespmem:$0x3C7B]  }
0xa0: {  	[tilespmem:$0x1FC30] =	vst v26;
	v26 =	vld [tilespmem:$0x3857]  }
0xa1: {  	[tilespmem:$0x1FC40] =	vst v28;
	v28 =	vld [tilespmem:$0x3958]  }
0xa2: {  	[tilespmem:$0x1FC60] =	vst v32;
	v32 =	vld [tilespmem:$0x3A59]  }
0xa3: {  	[tilespmem:$0x1FC80] =	vst v34;
	v34 =	vld [tilespmem:$0x3B5A]  }
0xa4: {  	[tilespmem:$0x1FE00] =	vst v62;
	v62 =	vld [tilespmem:$0x3D7C]  }
0xa5: {  	[tilespmem:$0x1FCA0] =	vst v39;
	v39 =	vld [tilespmem:$0x3C5B]  }
0xa6: {  	[tilespmem:$0x1FCC0] =	vst v40;
	v40 =	vld [tilespmem:$0x3D5C]  }
0xa7: {  	[tilespmem:$0x1FD20] =	vst v45;
	v45 =	vld [tilespmem:$0x3E5D]  }
0xa8: {  	[tilespmem:$0x1FD50] =	vst v47;
	v47 =	vld [tilespmem:$0x3F5E]  }
0xa9: {  	[tilespmem:$0x1FE40] =	vst v62;
	v62 =	vld [tilespmem:$0x3E7D]  }
0xaa: {  	[tilespmem:$0x1FDD0] =	vst v51;
	v51 =	vld [tilespmem:$0x405F];
	v21 =	vadd.f32 $0.0e+00, v21  }
0xab: {  	[tilespmem:$0x1FE10] =	vst v54;
	v54 =	vld [tilespmem:$0x3766];
	v9 =	vadd.f32 $0.0e+00, v9  }
0xac: {  	v21 =	vadd.f32 v24, v21;
	v24 =	vld [tilespmem:$0x3786]  }
0xad: {  	v9 =	vadd.f32 v11, v9;
	v11 =	vld [tilespmem:$0x3B8A]  }
0xae: {  	[tilespmem:$0x1FE80] =	vst v62;
	v62 =	vld [tilespmem:$0x3F7E]  }
0xaf: {  	[tilespmem:$0x1FCE0] =	vst v26;
	v26 =	vld [tilespmem:$0x3160]  }
0xb0: {  	[tilespmem:$0x1FD40] =	vst v32;
	v32 =	vld [tilespmem:$0x3261]  }
0xb1: {  	[tilespmem:$0x1FDB0] =	vst v39;
	v39 =	vld [tilespmem:$0x3362]  }
0xb2: {  	[tilespmem:$0x1FE30] =	vst v45;
	v45 =	vld [tilespmem:$0x3463]  }
0xb3: {  	[tilespmem:$0x1FEC0] =	vst v62;
	v62 =	vld [tilespmem:$0x407F]  }
0xb4: {  	[tilespmem:$0x1FEB0] =	vst v51;
	v51 =	vld [tilespmem:$0x3564]  }
0xb5: {  	[tilespmem:$0x1FE90] =	vst v58;
	v58 =	vld [tilespmem:$0x3665]  }
0xb6: {  	[tilespmem:$0x1FC70] =	vst v63;
	v63 =	vld [tilespmem:$0x3968]  }
0xb7: {  	[tilespmem:$0x1FC90] =	vst v17;
	v17 =	vld [tilespmem:$0x3A69]  }
0xb8: {  	[tilespmem:$0x1FEF0] =	vst v62;
	v62 =	vld [tilespmem:$0x3180]  }
0xb9: {  	[tilespmem:$0x1FCB0] =	vst v22;
	v22 =	vld [tilespmem:$0x3B6A]  }
0xba: {  	[tilespmem:$0x1FD10] =	vst v28;
	v28 =	vld [tilespmem:$0x3C6B]  }
0xbb: {  	[tilespmem:$0x1FD70] =	vst v34;
	v34 =	vld [tilespmem:$0x3D6C]  }
0xbc: {  	[tilespmem:$0x1FDF0] =	vst v40;
	v40 =	vld [tilespmem:$0x3E6D]  }
0xbd: {  	[tilespmem:$0x1FEE0] =	vst v62;
	v62 =	vld [tilespmem:$0x3281]  }
0xbe: {  	[tilespmem:$0x1FE70] =	vst v47;
	v47 =	vld [tilespmem:$0x3F6E]  }
0xbf: {  	v3 =	vadd.f32 $0.0e+00, v3;
	[tilespmem:$0x1FCD0] =	vst v54;
	v54 =	vld [tilespmem:$0x406F]  }
0xc0: {  	[tilespmem:$0x1FC10] =	vst v13;
	v13 =	vld [tilespmem:$0x3170]  }
0xc1: {  	v3 =	vadd.f32 v5, v3;
	[tilespmem:$0x1FF50] =	vst v24;
	v24 =	vadd.f32 v16, v9;
	v9 =	vld [tilespmem:$0x3A89]  }
0xc2: {  	[tilespmem:$0x1FF00] =	vst v62;
	v62 =	vld [tilespmem:$0x3382]  }
0xc3: {  	v3 =	vadd.f32 v7, v3;
	v5 =	vadd.f32 v19, v24;
	v19 =	vld [tilespmem:$0x3C8B]  }
0xc4: {  	v24 =	vld [tilespmem:$0x3D8C]  }
0xc5: {  	v16 =	vadd.f32 v10, v3;
	v10 =	vld [tilespmem:$0x3DAC]  }
0xc6: {  	[tilespmem:$0x1FD60] =	vst v17;
	v17 =	vld [tilespmem:$0x3271]  }
0xc7: {  	[tilespmem:$0x1FF10] =	vst v62;
	v62 =	vld [tilespmem:$0x3483]  }
0xc8: {  	[tilespmem:$0x1FDA0] =	vst v22;
	v22 =	vld [tilespmem:$0x3372]  }
0xc9: {  	[tilespmem:$0x1FDE0] =	vst v28;
	v28 =	vld [tilespmem:$0x3473]  }
0xca: {  	[tilespmem:$0x1FE20] =	vst v34;
	v34 =	vld [tilespmem:$0x3574]  }
0xcb: {  	v0 =	vadd.f32 $0.0e+00, v0;
	[tilespmem:$0x1FE60] =	vst v40;
	v40 =	vld [tilespmem:$0x3675]  }
0xcc: {  	[tilespmem:$0x1FF20] =	vst v62;
	v62 =	vld [tilespmem:$0x3584]  }
0xcd: {  	v0 =	vadd.f32 v1, v0;
	[tilespmem:$0x1FEA0] =	vst v47;
	v47 =	vld [tilespmem:$0x3776]  }
0xce: {  	[tilespmem:$0x1FED0] =	vst v54;
	v54 =	vld [tilespmem:$0x3877]  }
0xcf: {  	v0 =	vadd.f32 v2, v0;
	[tilespmem:$0x1FD30] =	vst v63;
	v63 =	vld [tilespmem:$0x3978]  }
0xd0: {  	v2 =	vadd.f32 v14, v16;
	v16 =	vld [tilespmem:$0x3998]  }
0xd1: {  	v0 =	vadd.f32 v4, v0;
	[tilespmem:$0x1FF30] =	vst v62;
	v62 =	vld [tilespmem:$0x3685]  }
0xd2: {  	v14 =	vld [tilespmem:$0x1FB30]  }
0xd3: {  	v0 =	vadd.f32 v6, v0;
	v6 =	vld [tilespmem:$0x3493]  }
0xd4: {  	v2 =	vadd.f32 v18, v2;
	v18 =	vld [tilespmem:$0x1FB50];
	[tilespmem:$0x1FFA0] =	vst v19  }
0xd5: {  	[tilespmem:$0x1FFB0] =	vst v24;
	v19 =	vld [tilespmem:$0x3A99];
	v0 =	vadd.f32 v8, v0  }
0xd6: {  	v24 =	vld [tilespmem:$0x1FB70];
	[tilespmem:$0x1FF40] =	vst v62;
	v62 =	vadd.f32 v30, v21  }
0xd7: {  	v0 =	vadd.f32 v12, v0;
	v12 =	vld [tilespmem:$0x1FB20]  }
0xd8: {  	v21 =	vld [tilespmem:$0x3887];
	v62 =	vadd.f32 v35, v62  }
0xd9: {  	v30 =	vld [tilespmem:$0x3988]  }
0xda: {  	v1 =	vadd.f32 v41, v62;
	v41 =	vadd.f32 v23, v2;
	v2 =	vld [tilespmem:$0x3392]  }
0xdb: {  	v62 =	vld [tilespmem:$0x1FB10]  }
0xdc: {  	v23 =	vld [tilespmem:$0x3B9A]  }
0xdd: {  	[tilespmem:$0x1FF60] =	vst v21;
	v21 =	vadd.f32 v27, v5;
	v27 =	vld [tilespmem:$0x3E8D]  }
0xde: {  	[tilespmem:$0x1FF70] =	vst v30;
	v30 =	vld [tilespmem:$0x3F8E]  }
0xdf: {  	v1 =	vadd.f32 v50, v1;
	v50 =	vadd.f32 v29, v41;
	v41 =	vld [tilespmem:$0x3695]  }
0xe0: {  	v29 =	vld [tilespmem:$0x1FBA0]  }
0xe1: {  	v3 =	vadd.f32 v33, v21;
	v33 =	vld [tilespmem:$0x408F]  }
0xe2: {  	v21 =	vld [tilespmem:$0x3C9B]  }
0xe3: {  	v1 =	vadd.f32 v56, v1;
	v56 =	vld [tilespmem:$0x1FB00]  }
0xe4: {  	v7 =	vadd.f32 v36, v50;
	v36 =	vld [tilespmem:$0x3897]  }
0xe5: {  	v50 =	vld [tilespmem:$0x1FC10]  }
0xe6: {  	v35 =	vadd.f32 v38, v3;
	v3 =	vld [tilespmem:$0x3190]  }
0xe7: {  	v38 =	vld [tilespmem:$0x1FAE0]  }
0xe8: {  	[tilespmem:$0x1FFC0] =	vst v27;
	v27 =	vld [tilespmem:$0x1FB90]  }
0xe9: {  	[tilespmem:$0x1FFD0] =	vst v30;
	v30 =	vld [tilespmem:$0x1FBB0]  }
0xea: {  	v7 =	vadd.f32 v43, v7;
	v43 =	vld [tilespmem:$0x1FBF0]  }
0xeb: {  	v4 =	vadd.f32 v44, v35;
	v44 =	vld [tilespmem:$0x1FAF0]  }
0xec: {  	v35 =	vld [tilespmem:$0x3796]  }
0xed: {  	[tilespmem:$0x1FFE0] =	vst v33;
	v33 =	vld [tilespmem:$0x1FBC0]  }
0xee: {  	v7 =	vadd.f32 v49, v7;
	v49 =	vadd.f32 $0.0e+00, v61;
	v61 =	vld [tilespmem:$0x1FC50]  }
0xef: {  	v4 =	vadd.f32 v52, v4;
	v52 =	vadd.f32 v15, v0;
	v0 =	vld [tilespmem:$0x3594]  }
0xf0: {  	v15 =	vld [tilespmem:$0x1FB40]  }
0xf1: {  	v5 =	vadd.f32 v38, v1;
	v1 =	vld [tilespmem:$0x3291]  }
0xf2: {  	v38 =	vld [tilespmem:$0x1FBE0]  }
0xf3: {  	v7 =	vadd.f32 v57, v7;
	v57 =	vadd.f32 $0.0e+00, v13;
	v13 =	vld [tilespmem:$0x1FC80]  }
0xf4: {  	v8 =	vadd.f32 v20, v52;
	v20 =	vld [tilespmem:$0x1FB60]  }
0xf5: {  	v52 =	vadd.f32 $0.0e+00, v42;
	v42 =	vld [tilespmem:$0x35A4]  }
0xf6: {  	v4 =	vadd.f32 v59, v4;
	v59 =	vld [tilespmem:$0x1FC30]  }
0xf7: {  	v5 =	vadd.f32 v44, v5;
	v8 =	vadd.f32 v25, v8;
	v25 =	vld [tilespmem:$0x1FB80]  }
0xf8: {  	v4 =	vadd.f32 v12, v4;
	v12 =	vld [tilespmem:$0x1FC70]  }
0xf9: {  	v5 =	vadd.f32 v56, v5;
	v56 =	vadd.f32 $0.0e+00, v26;
	v26 =	vld [tilespmem:$0x3AA9]  }
0xfa: {  	v8 =	vadd.f32 v31, v8;
	v31 =	vld [tilespmem:$0x3D9C]  }
0xfb: {  	v4 =	vadd.f32 v15, v4;
	v15 =	vld [tilespmem:$0x32A1]  }
0xfc: {  	v5 =	vadd.f32 v62, v5;
	v62 =	vld [tilespmem:$0x1FC60]  }
0xfd: {  	v3 =	vadd.f32 $0.0e+00, v3;
	v8 =	vadd.f32 v37, v8;
	v37 =	vld [tilespmem:$0x1FBD0]  }
0xfe: {  	v4 =	vadd.f32 v20, v4;
	v20 =	vld [tilespmem:$0x3BAA]  }
0xff: {  	v1 =	vadd.f32 v1, v3;
	v5 =	vadd.f32 v14, v5;
	v14 =	vld [tilespmem:$0x31A0]  }
0x100: {  	v7 =	vadd.f32 v25, v7;
	v25 =	vld [tilespmem:$0x39A8]  }
0x101: {  	v1 =	vadd.f32 v2, v1;
	v4 =	vadd.f32 v27, v4;
	v27 =	vld [tilespmem:$0x3F9E]  }
0x102: {  	v8 =	vadd.f32 v46, v8;
	v46 =	vld [tilespmem:$0x1FC00]  }
0x103: {  	v1 =	vadd.f32 v6, v1;
	v6 =	vld [tilespmem:$0x3CCB]  }
0x104: {  	v5 =	vadd.f32 v18, v5;
	v18 =	vld [tilespmem:$0x3E9D]  }
0x105: {  	v8 =	vadd.f32 v53, v8;
	v53 =	vld [tilespmem:$0x1FC20]  }
0x106: {  	v4 =	vadd.f32 v33, v4;
	v1 =	vadd.f32 v0, v1;
	v0 =	vld [tilespmem:$0x3DCC]  }
0x107: {  	v5 =	vadd.f32 v24, v5;
	v24 =	vld [tilespmem:$0x409F]  }
0x108: {  	[tilespmem:$0x1FF90] =	vst v11;
	v11 =	vadd.f32 v43, v4;
	v43 =	vld [tilespmem:$0x36A5]  }
0x109: {  	v44 =	vadd.f32 v60, v8;
	v60 =	vld [tilespmem:$0x1FC40]  }
0x10a: {  	v8 =	vadd.f32 v17, v57;
	v17 =	vld [tilespmem:$0x3CAB]  }
0x10b: {  	v57 =	vld [tilespmem:$0x1FDB0]  }
0x10c: {  	v5 =	vadd.f32 v29, v5;
	v29 =	vld [tilespmem:$0x38A7]  }
0x10d: {  	v4 =	vadd.f32 v50, v44;
	v44 =	vld [tilespmem:$0x37A6]  }
0x10e: {  	v14 =	vadd.f32 $0.0e+00, v14;
	v8 =	vadd.f32 v22, v8;
	v22 =	vld [tilespmem:$0x1FC90]  }
0x10f: {  	v50 =	vld [tilespmem:$0x1FD40]  }
0x110: {  	v7 =	vadd.f32 v30, v7;
	v14 =	vadd.f32 v15, v14;
	v15 =	vld [tilespmem:$0x1FF20]  }
0x111: {  	v30 =	vadd.f32 v37, v5;
	v37 =	vld [tilespmem:$0x33A2]  }
0x112: {  	v5 =	vadd.f32 v38, v7;
	v38 =	vld [tilespmem:$0x34A3]  }
0x113: {  	v7 =	vadd.f32 v32, v56;
	v32 =	vld [tilespmem:$0x1FCB0]  }
0x114: {  	v56 =	vld [tilespmem:$0x1FDA0]  }
0x115: {  	v8 =	vadd.f32 v28, v8;
	v28 =	vld [tilespmem:$0x1FCA0]  }
0x116: {  	[tilespmem:$0x1FFF0] =	vst v4;
	v4 =	vadd.f32 v48, v52;
	v48 =	vld [tilespmem:$0x1FD20]  }
0x117: {  	v52 =	vld [tilespmem:$0x1FD60]  }
0x118: {  	v7 =	vadd.f32 v39, v7;
	v39 =	vld [tilespmem:$0x1FCD0]  }
0x119: {  	v33 =	vadd.f32 v46, v5;
	v46 =	vld [tilespmem:$0x1FD00]  }
0x11a: {  	v5 =	vadd.f32 v53, v49;
	v49 =	vld [tilespmem:$0x1FD30]  }
0x11b: {  	v53 =	vld [tilespmem:$0x1FD70]  }
0x11c: {  	v8 =	vadd.f32 v34, v8;
	v34 =	vld [tilespmem:$0x1FCC0]  }
0x11d: {  	v4 =	vadd.f32 v55, v4;
	v55 =	vld [tilespmem:$0x1FD90]  }
0x11e: {  	v7 =	vadd.f32 v45, v7;
	v45 =	vld [tilespmem:$0x1FCF0]  }
0x11f: {  	v5 =	vadd.f32 v59, v5;
	v59 =	vld [tilespmem:$0x1FDD0]  }
0x120: {  	v8 =	vadd.f32 v40, v8;
	v40 =	vld [tilespmem:$0x1FCE0]  }
0x121: {  	v4 =	vadd.f32 v61, v4;
	v61 =	vld [tilespmem:$0x1FDF0]  }
0x122: {  	v37 =	vadd.f32 v37, v14;
	v14 =	vld [tilespmem:$0x3BCA]  }
0x123: {  	v7 =	vadd.f32 v51, v7;
	v51 =	vld [tilespmem:$0x1FD50]  }
0x124: {  	v5 =	vadd.f32 v60, v5;
	v60 =	vld [tilespmem:$0x1FDE0]  }
0x125: {  	v4 =	vadd.f32 v12, v4;
	v12 =	vld [tilespmem:$0x40AF]  }
0x126: {  	v8 =	vadd.f32 v47, v8;
	v47 =	vld [tilespmem:$0x1FD10]  }
0x127: {  	v38 =	vadd.f32 v38, v37;
	v37 =	vld [tilespmem:$0x33D2]  }
0x128: {  	v7 =	vadd.f32 v58, v7;
	v58 =	vld [tilespmem:$0x1FDC0]  }
0x129: {  	v5 =	vadd.f32 v62, v5;
	v62 =	vld [tilespmem:$0x1FE00]  }
0x12a: {  	[tilespmem:$0x1FF80] =	vst v9;
	v9 =	vadd.f32 v22, v4;
	v4 =	vld [tilespmem:$0x3FAE]  }
0x12b: {  	v22 =	vld [tilespmem:$0x31B0]  }
0x12c: {  	v8 =	vadd.f32 v54, v8;
	v54 =	vld [tilespmem:$0x1FD80]  }
0x12d: {  	v5 =	vadd.f32 v13, v5;
	v13 =	vld [tilespmem:$0x3EAD]  }
0x12e: {  	v7 =	vadd.f32 v39, v7;
	v39 =	vld [tilespmem:$0x35B4]  }
0x12f: {  	v9 =	vadd.f32 v32, v9;
	v32 =	vld [tilespmem:$0x33B2]  }
0x130: {  	v8 =	vadd.f32 v63, v8;
	v63 =	vld [tilespmem:$0x1FE10]  }
0x131: {  	v5 =	vadd.f32 v28, v5;
	v28 =	vld [tilespmem:$0x32B1]  }
0x132: {  	v7 =	vadd.f32 v46, v7;
	v46 =	vld [tilespmem:$0x38B7]  }
0x133: {  	v9 =	vadd.f32 v40, v9;
	v40 =	vld [tilespmem:$0x36B5]  }
0x134: {  	v5 =	vadd.f32 v34, v5;
	v34 =	vld [tilespmem:$0x34B3]  }
0x135: {  	v7 =	vadd.f32 v49, v7;
	v49 =	vld [tilespmem:$0x3BBA]  }
0x136: {  	v8 =	vadd.f32 v54, v8;
	v54 =	vld [tilespmem:$0x40BF]  }
0x137: {  	v3 =	vadd.f32 $0.0e+00, v22;
	v22 =	vld [tilespmem:$0x37C6]  }
0x138: {  	v9 =	vadd.f32 v47, v9;
	v47 =	vld [tilespmem:$0x39B8]  }
0x139: {  	v5 =	vadd.f32 v45, v5;
	v45 =	vld [tilespmem:$0x37B6]  }
0x13a: {  	v7 =	vadd.f32 v52, v7;
	v52 =	vld [tilespmem:$0x3EBD]  }
0x13b: {  	v8 =	vadd.f32 v58, v8;
	v58 =	vld [tilespmem:$0x1FE40]  }
0x13c: {  	v9 =	vadd.f32 v50, v9;
	v50 =	vld [tilespmem:$0x3CBB]  }
0x13d: {  	v5 =	vadd.f32 v48, v5;
	v48 =	vld [tilespmem:$0x3AB9]  }
0x13e: {  	v7 =	vadd.f32 v56, v7;
	v56 =	vld [tilespmem:$0x1FE20]  }
0x13f: {  	v8 =	vadd.f32 v62, v8;
	v62 =	vld [tilespmem:$0x1FE80]  }
0x140: {  	v9 =	vadd.f32 v53, v9;
	v53 =	vld [tilespmem:$0x3FBE]  }
0x141: {  	v5 =	vadd.f32 v51, v5;
	v51 =	vld [tilespmem:$0x3DBC]  }
0x142: {  	v7 =	vadd.f32 v60, v7;
	v60 =	vld [tilespmem:$0x1FE60]  }
0x143: {  	v9 =	vadd.f32 v57, v9;
	v57 =	vld [tilespmem:$0x1FE30]  }
0x144: {  	v8 =	vadd.f32 v58, v8;
	v58 =	vld [tilespmem:$0x1FEB0];
	v5 =	vadd.f32 v55, v5  }
0x145: {  	v9 =	vadd.f32 v61, v9;
	v61 =	vld [tilespmem:$0x1FE70]  }
0x146: {  	v7 =	vadd.f32 v56, v7;
	v56 =	vld [tilespmem:$0x31C0];
	v5 =	vadd.f32 v59, v5  }
0x147: {  	v59 =	vld [tilespmem:$0x1FE50]  }
0x148: {  	v5 =	vadd.f32 v63, v5;
	v63 =	vld [tilespmem:$0x1FE90]  }
0x149: {  	v9 =	vadd.f32 v57, v9;
	v57 =	vld [tilespmem:$0x1FEA0]  }
0x14a: {  	v8 =	vadd.f32 v62, v8;
	v62 =	vld [tilespmem:$0x1FEF0]  }
0x14b: {  	v7 =	vadd.f32 v60, v7;
	v60 =	vld [tilespmem:$0x1FED0]  }
0x14c: {  	v55 =	vadd.f32 v61, v9;
	v61 =	vld [tilespmem:$0x1FEE0];
	v5 =	vadd.f32 v59, v5  }
0x14d: {  	v59 =	vld [tilespmem:$0x1FEC0]  }
0x14e: {  	v9 =	vadd.f32 v63, v5;
	v5 =	vadd.f32 v57, v7;
	v57 =	vld [tilespmem:$0x32C1]  }
0x14f: {  	v7 =	vadd.f32 v58, v55;
	v58 =	vld [tilespmem:$0x33C2];
	v63 =	vadd.f32 v28, v3  }
0x150: {  	v28 =	vld [tilespmem:$0x39C8]  }
0x151: {  	v2 =	vadd.f32 v32, v63;
	v32 =	vld [tilespmem:$0x1FF30]  }
0x152: {  	v63 =	vadd.f32 v41, v1;
	v1 =	vld [tilespmem:$0x40CF]  }
0x153: {  	v55 =	vadd.f32 v59, v8;
	v8 =	vadd.f32 v60, v5;
	v60 =	vld [tilespmem:$0x34C3]  }
0x154: {  	v59 =	vadd.f32 $0.0e+00, v61;
	v61 =	vld [tilespmem:$0x1FF00]  }
0x155: {  	v2 =	vadd.f32 v34, v2;
	v5 =	vadd.f32 v62, v55;
	v55 =	vld [tilespmem:$0x35C4]  }
0x156: {  	v62 =	vld [tilespmem:$0x1FF10]  }
0x157: {  	v35 =	vadd.f32 v35, v63;
	v41 =	vadd.f32 v39, v2;
	v2 =	vld [tilespmem:$0x3FCE]  }
0x158: {  	v39 =	vld [tilespmem:$0x32D1]  }
0x159: {  	v35 =	vadd.f32 v36, v35;
	v36 =	vld [tilespmem:$0x35D4];
	v59 =	vadd.f32 v61, v59  }
0x15a: {  	v61 =	vld [tilespmem:$0x36C5]  }
0x15b: {  	v16 =	vadd.f32 v16, v35;
	v35 =	vld [tilespmem:$0x37D6];
	v59 =	vadd.f32 v62, v59  }
0x15c: {  	v62 =	vld [tilespmem:$0x38C7]  }
0x15d: {  	v16 =	vadd.f32 v19, v16;
	v3 =	vadd.f32 v15, v59;
	v15 =	vld [tilespmem:$0x3AC9]  }
0x15e: {  	v59 =	vld [tilespmem:$0x1FF40]  }
0x15f: {  	v16 =	vadd.f32 v23, v16;
	v23 =	vld [tilespmem:$0x39D8]  }
0x160: {  	v3 =	vadd.f32 v32, v3;
	v32 =	vadd.f32 v42, v38;
	v42 =	vld [tilespmem:$0x1FF50]  }
0x161: {  	v38 =	vld [tilespmem:$0x31D0];
	v16 =	vadd.f32 v21, v16  }
0x162: {  	v21 =	vld [tilespmem:$0x3BDA]  }
0x163: {  	v32 =	vadd.f32 v43, v32;
	v16 =	vadd.f32 v31, v16;
	v31 =	vld [tilespmem:$0x3DDC]  }
0x164: {  	v43 =	vadd.f32 v40, v41;
	v34 =	vadd.f32 v59, v3;
	v3 =	vld [tilespmem:$0x3ECD]  }
0x165: {  	v59 =	vld [tilespmem:$0x1FF60];
	v32 =	vadd.f32 v44, v32  }
0x166: {  	v63 =	vadd.f32 v45, v43;
	v44 =	vld [tilespmem:$0x1FF70]  }
0x167: {  	v29 =	vadd.f32 v29, v32;
	v32 =	vld [tilespmem:$0x34D3]  }
0x168: {  	v45 =	vadd.f32 v46, v63;
	v46 =	vld [tilespmem:$0x1FF80]  }
0x169: {  	v34 =	vadd.f32 v42, v34;
	v63 =	vld [tilespmem:$0x1FFA0]  }
0x16a: {  	v25 =	vadd.f32 v25, v29;
	v29 =	vld [tilespmem:$0x36D5]  }
0x16b: {  	v38 =	vadd.f32 $0.0e+00, v38;
	v34 =	vadd.f32 v59, v34;
	v59 =	vld [tilespmem:$0x1FF90]  }
0x16c: {  	v47 =	vadd.f32 v47, v45;
	v45 =	vld [tilespmem:$0x1FFC0]  }
0x16d: {  	v38 =	vadd.f32 v39, v38;
	v25 =	vadd.f32 v26, v25;
	v26 =	vld [tilespmem:$0x38D7]  }
0x16e: {  	v34 =	vadd.f32 v44, v34;
	v44 =	vld [tilespmem:$0x1FFB0]  }
0x16f: {  	v37 =	vadd.f32 v37, v38;
	v19 =	vadd.f32 v48, v47;
	v47 =	vld [tilespmem:$0x1FFD0]  }
0x170: {  	v16 =	vadd.f32 v18, v16;
	v48 =	vld [tilespmem:$0x31E0]  }
0x171: {  	v32 =	vadd.f32 v32, v37;
	v37 =	vld [tilespmem:$0x3FFE];
	v19 =	vadd.f32 v49, v19  }
0x172: {  	v20 =	vadd.f32 v20, v25;
	v25 =	vld [tilespmem:$0x3AD9]  }
0x173: {  	v16 =	vadd.f32 v27, v16;
	v49 =	vld [tilespmem:$0x1FFE0];
	v19 =	vadd.f32 v50, v19  }
0x174: {  	v34 =	vadd.f32 v46, v34;
	v17 =	vadd.f32 v17, v20;
	v20 =	vld [tilespmem:$0x3CDB]  }
0x175: {  	v32 =	vadd.f32 v36, v32;
	v50 =	vld [tilespmem:$0x31F0];
	v46 =	vadd.f32 v51, v19  }
0x176: {  	v34 =	vadd.f32 v59, v34;
	v59 =	vld [tilespmem:$0x34F3];
	v27 =	vadd.f32 $0.0e+00, v48  }
0x177: {  	v48 =	vld [tilespmem:$0x37F6];
	v10 =	vadd.f32 v10, v17;
	v18 =	vadd.f32 v52, v46  }
0x178: {  	v29 =	vadd.f32 v29, v32;
	v32 =	vld [tilespmem:$0x3EFD]  }
0x179: {  	v51 =	vld [tilespmem:$0x32E1];
	v10 =	vadd.f32 v13, v10;
	v18 =	vadd.f32 v53, v18  }
0x17a: {  	v16 =	vadd.f32 v24, v16;
	v52 =	vadd.f32 $0.0e+00, v56;
	v53 =	vld [tilespmem:$0x32F1]  }
0x17b: {  	v4 =	vadd.f32 v4, v10;
	v18 =	vadd.f32 v54, v18;
	v54 =	vld [tilespmem:$0x33E2]  }
0x17c: {  	v34 =	vadd.f32 v63, v34;
	v56 =	vld [tilespmem:$0x33F2];
	v10 =	vadd.f32 $0.0e+00, v50  }
0x17d: {  	v4 =	vadd.f32 v12, v4;
	v12 =	vadd.f32 v57, v52;
	v57 =	vld [tilespmem:$0x34E3]  }
0x17e: {  	v17 =	vld [tilespmem:$0x3EDD];
	v34 =	vadd.f32 v44, v34;
	v24 =	vadd.f32 v51, v27  }
0x17f: {  	v63 =	vld [tilespmem:$0x35E4];
	v12 =	vadd.f32 v58, v12;
	v10 =	vadd.f32 v53, v10  }
0x180: {  	v44 =	vld [tilespmem:$0x35F4];
	v34 =	vadd.f32 v45, v34;
	v24 =	vadd.f32 v54, v24  }
0x181: {  	v45 =	vld [tilespmem:$0x36E5];
	v12 =	vadd.f32 v60, v12;
	v10 =	vadd.f32 v56, v10  }
0x182: {  	v46 =	vld [tilespmem:$0x36F5];
	v34 =	vadd.f32 v47, v34;
	v24 =	vadd.f32 v57, v24  }
0x183: {  	v47 =	vld [tilespmem:$0x37E6];
	v12 =	vadd.f32 v55, v12;
	v10 =	vadd.f32 v59, v10  }
0x184: {  	v19 =	vld [tilespmem:$0x3FDE];
	v34 =	vadd.f32 v49, v34;
	v24 =	vadd.f32 v63, v24  }
0x185: {  	v49 =	vld [tilespmem:$0x38E7];
	v12 =	vadd.f32 v61, v12;
	v10 =	vadd.f32 v44, v10  }
0x186: {  	v29 =	vadd.f32 v35, v29;
	v51 =	vld [tilespmem:$0x38F7];
	v50 =	vadd.f32 v45, v24  }
0x187: {  	v52 =	vld [tilespmem:$0x39E8];
	v12 =	vadd.f32 v22, v12;
	v10 =	vadd.f32 v46, v10  }
0x188: {  	v26 =	vadd.f32 v26, v29;
	v53 =	vld [tilespmem:$0x39F8];
	v22 =	vadd.f32 v47, v50  }
0x189: {  	v54 =	vld [tilespmem:$0x3AE9];
	v12 =	vadd.f32 v62, v12;
	v10 =	vadd.f32 v48, v10  }
0x18a: {  	v23 =	vadd.f32 v23, v26;
	v55 =	vld [tilespmem:$0x3AF9];
	v22 =	vadd.f32 v49, v22  }
0x18b: {  	v56 =	vld [tilespmem:$0x3BEA];
	v12 =	vadd.f32 v28, v12;
	v10 =	vadd.f32 v51, v10  }
0x18c: {  	v23 =	vadd.f32 v25, v23;
	v58 =	vld [tilespmem:$0x3BFA];
	v57 =	vadd.f32 v52, v22  }
0x18d: {  	v59 =	vld [tilespmem:$0x3CEB];
	v12 =	vadd.f32 v15, v12;
	v10 =	vadd.f32 v53, v10  }
0x18e: {  	[tilespmem:$0x4190] =	vst v11;
	v61 =	vld [tilespmem:$0x3CFB];
	v62 =	vadd.f32 v21, v23;
	v60 =	vadd.f32 v54, v57  }
0x18f: {  	[tilespmem:$0x4180] =	vst v30;
	v63 =	vld [tilespmem:$0x3DEC];
	v12 =	vadd.f32 v14, v12;
	v10 =	vadd.f32 v55, v10  }
0x190: {  	[tilespmem:$0x41A0] =	vst v33;
	v27 =	vld [tilespmem:$0x3DFC];
	v11 =	vadd.f32 v20, v62;
	v26 =	vadd.f32 v56, v60  }
0x191: {  	[tilespmem:$0x41C0] =	vst v9;
	v29 =	vld [tilespmem:$0x3EED];
	v6 =	vadd.f32 v6, v12;
	v10 =	vadd.f32 v58, v10  }
0x192: {  	[tilespmem:$0x41D0] =	vst v7;
	v35 =	vld [tilespmem:$0x3FEE];
	v33 =	vadd.f32 v31, v11;
	v30 =	vadd.f32 v59, v26  }
0x193: {  	[tilespmem:$0x41E0] =	vst v8;
	v13 =	vld [tilespmem:$0x40DF];
	v0 =	vadd.f32 v0, v6;
	v10 =	vadd.f32 v61, v10  }
0x194: {  	[tilespmem:$0x41F0] =	vst v5;
	v28 =	vld [tilespmem:$0x1FFF0];
	v38 =	vadd.f32 v17, v33;
	v36 =	vadd.f32 v63, v30  }
0x195: {  	v40 =	vld [tilespmem:$0x40EF];
	[tilespmem:$0x4210] =	vst v16;
	v0 =	vadd.f32 v3, v0;
	v39 =	vadd.f32 v27, v10  }
0x196: {  	v42 =	vld [tilespmem:$0x40FF];
	[tilespmem:$0x4220] =	vst v4;
	v5 =	vadd.f32 v19, v38;
	v41 =	vadd.f32 v29, v36  }
0x197: {  	[tilespmem:$0x4230] =	vst v18;
	v0 =	vadd.f32 v2, v0;
	v7 =	vadd.f32 v32, v39  }
0x198: {  	[tilespmem:$0x4200] =	vst v34;
	v44 =	vadd.f32 v13, v5;
	v43 =	vadd.f32 v35, v41  }
0x199: {  	[tilespmem:$0x41B0] =	vst v28;
	v0 =	vadd.f32 v1, v0;
	v45 =	vadd.f32 v37, v7  }
0x19a: {  	[tilespmem:$0x4250] =	vst v44;
	v46 =	vadd.f32 v40, v43  }
0x19b: {  	[tilespmem:$0x4240] =	vst v0;
	v47 =	vadd.f32 v42, v45  }
0x19c: {  	s9 =	simm.s32 $0x80;
	[tilespmem:$0x4260] =	vst v46  }
0x19d: {  	s10 =	simm.s32 $0x400;
	s11 =	simm.s32 $0x4180;
	s29 =	simm.s32 $0x3;
	[tilespmem:$0x4270] =	vst v47  }
0x19e: {  	[spmem:s8] =	stream.strided.scatter [tilespmem:s11], [sflag:$0x3], $0x100, s10, s9, $0x38;
	[tilespmem:$0x5380] =	vst v63  }
0x19f: {  	_ =	swait.ge [sflag:s29], $0x100  }
0x1a0: {  	[sflag:s29] =	ssyncset.done $0x0  }
0x1a1: {  	[sflag:s29] =	ssyncadd.s32 $0xFFFFFF00  }
0x1a2: {  	s30 =	simm.s32 $0x4380;
	[bflag:$0x0] =	sbarrier.arrive $0xFFFF  }
0x1a3: {  	[tilespmem:s30], [sflag:$0x3] =	stream.linear.gather [spmem:s2], $0x1000, $0x38;
	[tilespmem:$0x5380] =	vst v63  }
0x1a4: {  	_ =	swait.ge [sflag:s29], $0x1000  }
0x1a5: {  	[sflag:s29] =	ssyncset.done $0x0  }
0x1a6: {  	[sflag:s29] =	ssyncadd.s32 $0xFFFFF000  }
0x1a7: {  	v48 =	vld [tilespmem:s5+$0x0];
	_ =	sdelay $0x1  }
0x1a8: {  	v49 =	vld [tilespmem:s5+$0x80];
	_ =	sdelay $0x1  }
0x1a9: {  	v50 =	vld [tilespmem:s5+$0x100]  }
0x1aa: {  	v0 =	vadd.f32 $0.0e+00, v48  }
0x1ab: {  	v51 =	vld [tilespmem:s5+$0x180]  }
0x1ac: {  	v0 =	vadd.f32 v49, v0  }
0x1ad: {  	v52 =	vld [tilespmem:s5+$0x200]  }
0x1ae: {  	v0 =	vadd.f32 v50, v0  }
0x1af: {  	v53 =	vld [tilespmem:s5+$0x280]  }
0x1b0: {  	v0 =	vadd.f32 v51, v0  }
0x1b1: {  	v54 =	vld [tilespmem:s5+$0x300]  }
0x1b2: {  	v0 =	vadd.f32 v52, v0  }
0x1b3: {  	v55 =	vld [tilespmem:s6+$0x4380]  }
0x1b4: {  	v0 =	vadd.f32 v53, v0  }
0x1b5: {  	v56 =	vld [tilespmem:s7+$0x0]  }
0x1b6: {  	v0 =	vadd.f32 v54, v0  }
0x1b7: {  	v57 =	vld [tilespmem:s3+$0x4C00]  }
0x1b8: {  	v0 =	vadd.f32 v55, v0  }
0x1b9: {  	v58 =	vld [tilespmem:s3+$0x4C80]  }
0x1ba: {  	v0 =	vadd.f32 v56, v0  }
0x1bb: {  	v59 =	vld [tilespmem:s3+$0x4D00]  }
0x1bc: {  	v0 =	vadd.f32 v57, v0  }
0x1bd: {  	v60 =	vld [tilespmem:s3+$0x4D80]  }
0x1be: {  	v0 =	vadd.f32 v58, v0  }
0x1bf: {  	v61 =	vld [tilespmem:s3+$0x4E00]  }
0x1c0: {  	v0 =	vadd.f32 v59, v0  }
0x1c1: {  	v62 =	vld [tilespmem:s3+$0x4E80]  }
0x1c2: {  	v0 =	vadd.f32 v60, v0  }
0x1c3: {  	v63 =	vld [tilespmem:s3+$0x4F00]  }
0x1c4: {  	v0 =	vadd.f32 v61, v0;
	_ =	sdelay $0x1  }
0x1c5: {  	v0 =	vadd.f32 v62, v0;
	_ =	sdelay $0x1  }
0x1c6: {  	v0 =	vadd.f32 v63, v0;
	_ =	sdelay $0x1  }
0x1c7: {  	s31 =	simm.s32 $0x0;
	[tilespmem:$0x4180] =	vst v0  }
0x1c8: {  	[hbm4b:s4+s31] =	stream.linear.scatter [tilespmem:s11], [sflag:$0x3], $0x10, $0x38;
	[tilespmem:$0x5380] =	vst v63  }
0x1c9: {  	_ =	swait.ge [sflag:s29], $0x10  }
0x1ca: {  	[sflag:s29] =	ssyncset.done $0x0  }
0x1cb: {  	[sflag:s29] =	ssyncadd.s32 $0xFFFFFFF0  }
0x1cc: {  	_ =	sfence.sel $0x180000  }
0x1cd: {  	[bflag:$0x0] =	sbarrier.arrive $0xFFFF  }
0x1ce: {  	p0 =	sne.s32 s1, $0x0;
	_ =	strace $0x90000047  }
0x1cf: {  	s0 =	sadd.s32 @!p0 $0x100000, s0;
	[bflag:$0x2] =	sbarrier.arrive $0xFFFF  }
0x1d0: {  	[sflag:s0] =	ssyncadd.tile.s32 @!p0 $0x1;
	_ =	shalt  }
.Lfunc_end2:
_tile_overlayer_lowered:
.L_overlay_start_2:
0x1d1: {  	(tag) =	ssettag $0x2  }
0x1d2: {  	s0 =	rddreg [dreg:$0x0];
	s2 =	stileid.u32  }
0x1d3: {  	s1 =	rddreg [dreg:$0x1];
	p0 =	sne.s32 s2, $0x0  }
0x1d4: {  	s3 =	rddreg [dreg:$0x2];
	[bflag:$0x3] =	sbarrier.arrive $0xFFFF;
	s2 =	simm.s32 @!p0 $0x1C03  }
0x1d5: {  	[timem:s3], [sflag:s2] =	dma.local @!p0 [hbm:s0], s1  }
0x1d6: {  	s0 =	simm.s32 @!p0 $0x3  }
0x1d7: {  	_ =	swait.ge @!p0 [sflag:s0], s1  }
0x1d8: {  	s1 =	ssub.s32 @!p0 $0x0, s1;
	[sflag:s0] =	ssyncset.done @!p0 $0x0  }
0x1d9: {  	[sflag:s0] =	ssyncadd.s32 @!p0 s1  }
0x1da: {  	[bflag:$0x3] =	sbarrier.arrive $0xFFFF  }
0x1db: {  	_ =	shalt  }

</sc_bundles>
